<compile_context>
chip_gen: v7x
topology: tpu7x:2x2x1
jax: 0.10.2.dev20260603
libtpu: 0.0.44.dev20260713+nightly
codegen_flags: <defaults>
</compile_context>

<pallas_src>
import jax
import jax.numpy as jnp
from jax import lax
from jax.experimental import pallas as pl
from jax.experimental.pallas import tpu as pltpu
from jax.experimental.pallas import tpu_sc as plsc

N_USERS = 5000
N_PRODS = 5000
N_NODES = N_USERS + N_PRODS
NACC = 10240
EDGES = 320000
NSUB = 16
CHUNK = 128
CHUNKS_PER_SUB = 160
SUPER = 80
EPAD = NSUB * CHUNKS_PER_SUB * CHUNK
D = 128
DH = 64
HROWS = NACC // 128
ROWS_PER_SUB = NACC // NSUB
STAGE_ROWS = N_NODES // NSUB
NTBL = N_NODES + 48

_f32 = jnp.float32
_i32 = jnp.int32


_sc_mesh = plsc.VectorSubcoreMesh(core_axis_name="c", subcore_axis_name="s")


def _sc_body(y_hbm, src_hbm, dst_hbm, zeros_hbm, idx80_hbm,
             out_feat, out_deg,
             src_v, dst_v, r0, r1, hist_v, idx80_v,
             y_spm, accf, accd, g0, g1, s0, s1):
    c = lax.axis_index("c")
    s = lax.axis_index("s")
    base = s * ROWS_PER_SUB

    pltpu.sync_copy(y_hbm.at[pl.ds(s * STAGE_ROWS, STAGE_ROWS),
                             pl.ds(c * DH, DH)],
                    y_spm.at[pl.ds(s * STAGE_ROWS, STAGE_ROWS)])
    pltpu.sync_copy(idx80_hbm, idx80_v)

    @pl.when(s == 0)
    def _zero_accd():
        pltpu.sync_copy(zeros_hbm, accd)

    z16 = jnp.zeros((16,), _f32)

    def _zrow(i, carry):
        for j in range(DH // 16):
            r0[i, j * 16:(j + 1) * 16] = z16
        return carry

    lax.fori_loop(0, CHUNK, _zrow, 0)

    def _zhist(i, carry):
        for j in range(128 // 16):
            hist_v[i, j * 16:(j + 1) * 16] = z16
        return carry

    lax.fori_loop(0, HROWS, _zhist, 0)

    for k in range(ROWS_PER_SUB // CHUNK):
        pltpu.sync_copy(r0, accf.at[pl.ds(base + k * CHUNK, CHUNK)])

    plsc.subcore_barrier()

    ones16 = jnp.full((16,), 1.0, _f32)

    def _hist_update(a):
        for j in range(CHUNK // 16):
            dv = dst_v[a, j * 16:(j + 1) * 16]
            plsc.addupdate_scatter(
                hist_v, [lax.shift_right_logical(dv, 7),
                         lax.bitwise_and(dv, 127)], ones16)

    def _super(t, carry):
        pltpu.sync_copy(src_hbm.at[s, pl.ds(t * SUPER, SUPER)], src_v)
        pltpu.sync_copy(dst_hbm.at[s, pl.ds(t * SUPER, SUPER)], dst_v)

        def _group(g, carry2):
            a = g * 2
            ga = pltpu.async_copy(y_spm.at[src_v.at[a]], r0, g0)
            gb = pltpu.async_copy(y_spm.at[src_v.at[a + 1]], r1, g1)
            _hist_update(a)
            _hist_update(a + 1)
            ga.wait()
            sa = pltpu.async_copy(r0, accf.at[dst_v.at[a]], s0, add=True)
            gb.wait()
            sb = pltpu.async_copy(r1, accf.at[dst_v.at[a + 1]], s1, add=True)
            sa.wait()
            sb.wait()
            return carry2

        lax.fori_loop(0, SUPER // 2, _group, 0)
        return carry

    lax.fori_loop(0, CHUNKS_PER_SUB // SUPER, _super, 0)

    pltpu.sync_copy(hist_v, accd.at[idx80_v], add=True)

    plsc.subcore_barrier()

    pltpu.sync_copy(accf.at[pl.ds(base, ROWS_PER_SUB)],
                    out_feat.at[pl.ds(base, ROWS_PER_SUB), pl.ds(c * DH, DH)])

    @pl.when(s == 0)
    def _write_deg():
        pltpu.sync_copy(accd, out_deg.at[c])


_sc_segsum = pl.kernel(
    _sc_body,
    out_type=(
        jax.ShapeDtypeStruct((NACC, D), _f32),
        jax.ShapeDtypeStruct((2, HROWS, 128), _f32),
    ),
    mesh=_sc_mesh,
    scratch_types=[
        pltpu.VMEM((SUPER, CHUNK), _i32),
        pltpu.VMEM((SUPER, CHUNK), _i32),
        pltpu.VMEM((CHUNK, DH), _f32),
        pltpu.VMEM((CHUNK, DH), _f32),
        pltpu.VMEM((HROWS, 128), _f32),
        pltpu.VMEM((HROWS,), _i32),
        pltpu.VMEM_SHARED((NTBL, DH), _f32),
        pltpu.VMEM_SHARED((NACC, DH), _f32),
        pltpu.VMEM_SHARED((HROWS, 128), _f32),
        pltpu.SemaphoreType.DMA,
        pltpu.SemaphoreType.DMA,
        pltpu.SemaphoreType.DMA,
        pltpu.SemaphoreType.DMA,
    ],
    compiler_params=pltpu.CompilerParams(use_tc_tiling_on_sc=False,
                                         needs_layout_passes=False),
)


_RB = 1000
_HI = jax.lax.Precision.DEFAULT


def _tc_rmm_body(x_ref, w_ref, o_ref):
    o_ref[...] = jnp.dot(x_ref[...], w_ref[...], preferred_element_type=_f32,
                         precision=_HI)


def _tc_rmm(x, wT):
    return pl.pallas_call(
        _tc_rmm_body,
        grid=(N_NODES // _RB,),
        in_specs=[
            pl.BlockSpec((_RB, D), lambda i: (i, 0)),
            pl.BlockSpec((D, D), lambda i: (0, 0)),
        ],
        out_specs=pl.BlockSpec((_RB, D), lambda i: (i, 0)),
        out_shape=jax.ShapeDtypeStruct((N_NODES, D), _f32),
    )(x, wT)


def _tc_mid_body(pf_ref, dv_ref, b_ref, r_ref, wlT_ref,
                 h_ref, y2_ref):
    inv = 1.0 / jnp.maximum(dv_ref[...], 1.0)
    h = jnp.maximum(pf_ref[...] * inv + b_ref[...] + r_ref[...], 0.0)
    h_ref[...] = h
    y2_ref[...] = jnp.dot(h, wlT_ref[...], preferred_element_type=_f32,
                          precision=_HI)


def _tc_mid(pf, dv, b, r, wlT):
    return pl.pallas_call(
        _tc_mid_body,
        grid=(N_NODES // _RB,),
        in_specs=[
            pl.BlockSpec((_RB, D), lambda i: (i, 0)),
            pl.BlockSpec((_RB, 1), lambda i: (i, 0)),
            pl.BlockSpec((1, D), lambda i: (0, 0)),
            pl.BlockSpec((_RB, D), lambda i: (i, 0)),
            pl.BlockSpec((D, D), lambda i: (0, 0)),
        ],
        out_specs=[
            pl.BlockSpec((_RB, D), lambda i: (i, 0)),
            pl.BlockSpec((_RB, D), lambda i: (i, 0)),
        ],
        out_shape=[
            jax.ShapeDtypeStruct((N_NODES, D), _f32),
            jax.ShapeDtypeStruct((N_NODES, D), _f32),
        ],
    )(pf, dv, b, r, wlT)


def _tc_post_body(pf_ref, dv_ref, b_ref, r_ref, out_ref):
    inv = 1.0 / jnp.maximum(dv_ref[...], 1.0)
    out_ref[0] = pf_ref[...] * inv + b_ref[...] + r_ref[...]


def _tc_post(pf, dv, b, r):
    return pl.pallas_call(
        _tc_post_body,
        grid=(N_NODES // _RB,),
        in_specs=[
            pl.BlockSpec((_RB, D), lambda i: (i, 0)),
            pl.BlockSpec((_RB, 1), lambda i: (i, 0)),
            pl.BlockSpec((1, D), lambda i: (0, 0)),
            pl.BlockSpec((_RB, D), lambda i: (i, 0)),
        ],
        out_specs=pl.BlockSpec((1, _RB, D), lambda i: (i // 5, i % 5, 0)),
        out_shape=jax.ShapeDtypeStruct((2, N_USERS, D), _f32),
    )(pf, dv, b, r)


def kernel(edge_index, num_users, user_emb, prod_emb, W1l, b1l, W1r, W2l,
           b2l, W2r):
    x = jnp.concatenate([user_emb, prod_emb], axis=0)

    ep = jnp.pad(edge_index, ((0, 0), (0, EPAD - EDGES)),
                 constant_values=N_NODES)
    srcp = ep[0].reshape(NSUB, CHUNKS_PER_SUB, CHUNK)
    dstp = ep[1].reshape(NSUB, CHUNKS_PER_SUB, CHUNK)

    zeros80 = jnp.zeros((HROWS, 128), _f32)
    idx80 = jnp.arange(HROWS, dtype=_i32)

    b1 = b1l.reshape(1, D)
    b2 = b2l.reshape(1, D)

    y1 = _tc_rmm(x, W1l.T)
    pf1, pd1 = _sc_segsum(y1, srcp, dstp, zeros80, idx80)
    r1 = _tc_rmm(x, W1r.T)
    degv = pd1[0].reshape(NACC, 1)[:N_NODES]
    h, y2 = _tc_mid(pf1, degv, b1, r1, W2l.T)

    pf2, _ = _sc_segsum(y2, srcp, dstp, zeros80, idx80)
    r2 = _tc_rmm(h, W2r.T)
    out = _tc_post(pf2, degv, b2, r2)

    return (out[0], out[1])

# --- scband reference (transcript-rebuilt; emitter-appended) ---
"""Pipeline reference for scband-rec-model-6708738916583 (READ-ONLY COPY).

The authoritative reference and input builder live on the scoring server;
editing this copy changes nothing except your own understanding.
"""

import jax, jax.numpy as jnp
import numpy as np

NUM_USERS = 5000
NUM_PRODUCTS = 5000
EMBED_DIM = 128
N_EDGES = 320000
N_NODES = NUM_USERS + NUM_PRODUCTS


def _glorot(key, shape):
    fan_out, fan_in = shape[0], shape[1]
    limit = (6.0 / (fan_in + fan_out)) ** 0.5
    return jax.random.uniform(key, shape, minval=-limit, maxval=limit, dtype=jnp.float32)


def setup_inputs(seed: int = 0) -> dict:
    key = jax.random.key(seed)
    ks = jax.random.split(key, 8)
    edge_index = jax.random.randint(ks[0], (2, N_EDGES), 0, N_NODES, dtype=jnp.int32)
    user_emb = _glorot(ks[1], (NUM_USERS, EMBED_DIM))
    prod_emb = _glorot(ks[2], (NUM_PRODUCTS, EMBED_DIM))
    W1l = _glorot(ks[3], (EMBED_DIM, EMBED_DIM))
    b1l = jnp.zeros((EMBED_DIM,), dtype=jnp.float32)
    W1r = _glorot(ks[4], (EMBED_DIM, EMBED_DIM))
    W2l = _glorot(ks[5], (EMBED_DIM, EMBED_DIM))
    b2l = jnp.zeros((EMBED_DIM,), dtype=jnp.float32)
    W2r = _glorot(ks[6], (EMBED_DIM, EMBED_DIM))
    return {
        "edge_index": edge_index,
        "num_users": NUM_USERS,
        "user_emb": user_emb,
        "prod_emb": prod_emb,
        "W1l": W1l,
        "b1l": b1l,
        "W1r": W1r,
        "W2l": W2l,
        "b2l": b2l,
        "W2r": W2r,
    }


def _sage_conv(x, src, dst, Wl, bl, Wr, n):
    # PyG SAGEConv: mean-aggregate neighbor messages (src -> dst),
    # then out = lin_l(agg) + lin_r(x); lin_l has bias, lin_r has no bias.
    msgs = jnp.take(x, src, axis=0)
    summed = jax.ops.segment_sum(msgs, dst, num_segments=n)
    cnt = jax.ops.segment_sum(jnp.ones((src.shape[0],), dtype=x.dtype), dst, num_segments=n)
    agg = summed / jnp.clip(cnt, 1.0)[:, None]
    return agg @ Wl.T + bl + x @ Wr.T


def reference(edge_index, num_users, user_emb, prod_emb, W1l, b1l, W1r, W2l, b2l, W2r):
    x = jnp.concatenate([user_emb, prod_emb], axis=0)
    src = edge_index[0]
    dst = edge_index[1]
    n = x.shape[0]
    h = jax.nn.relu(_sage_conv(x, src, dst, W1l, b1l, W1r, n))
    h = _sage_conv(h, src, dst, W2l, b2l, W2r, n)
    nu = user_emb.shape[0]
    h_users = jax.lax.dynamic_slice_in_dim(h, 0, nu, axis=0)
    h_prods = jax.lax.dynamic_slice_in_dim(h, num_users, n - nu, axis=0)
    return (h_users, h_prods)

if __name__ == "__main__":
    import jax
    _d = setup_inputs()
    print(jax.jit(kernel)(*tuple(_d.values())))

</pallas_src>

<mosaic_0001>
#map = affine_map<(d0, d1) -> (0, 0)>
#map1 = affine_map<(d0, d1) -> (0, 0, 0)>
#map2 = affine_map<(d0, d1) -> (0)>
module attributes {stable_mosaic.version = 14 : i64} {
  func.func @_sc_body(%arg0: i32, %arg1: i32, %arg2: memref<10000x128xf32, #tpu.memory_space<hbm>>, %arg3: memref<16x160x128xi32, #tpu.memory_space<hbm>>, %arg4: memref<16x160x128xi32, #tpu.memory_space<hbm>>, %arg5: memref<80x128xf32, #tpu.memory_space<hbm>>, %arg6: memref<80xi32, #tpu.memory_space<hbm>>, %arg7: memref<10240x128xf32, #tpu.memory_space<hbm>>, %arg8: memref<2x80x128xf32, #tpu.memory_space<hbm>>, %arg9: memref<80x128xi32, #tpu.memory_space<vmem>>, %arg10: memref<80x128xi32, #tpu.memory_space<vmem>>, %arg11: memref<128x64xf32, #tpu.memory_space<vmem>>, %arg12: memref<128x64xf32, #tpu.memory_space<vmem>>, %arg13: memref<80x128xf32, #tpu.memory_space<vmem>>, %arg14: memref<80xi32, #tpu.memory_space<vmem>>, %arg15: memref<10048x64xf32, #tpu.memory_space<vmem_shared>>, %arg16: memref<10240x64xf32, #tpu.memory_space<vmem_shared>>, %arg17: memref<80x128xf32, #tpu.memory_space<vmem_shared>>, %arg18: memref<!tpu.dma_semaphore, #tpu.memory_space<semaphore_mem>>, %arg19: memref<!tpu.dma_semaphore, #tpu.memory_space<semaphore_mem>>, %arg20: memref<!tpu.dma_semaphore, #tpu.memory_space<semaphore_mem>>, %arg21: memref<!tpu.dma_semaphore, #tpu.memory_space<semaphore_mem>>) attributes {dimension_semantics = [#tpu.dimension_semantics<core_parallel>, #tpu.dimension_semantics<subcore_parallel>], iteration_bounds = array<i64: 2, 16>, scalar_prefetch = 0 : i64, scratch_operands = 13 : i64, tpu.core_type = #tpu.core_type<sc_vector_subcore>, window_params = [{transform_indices = #map}, {transform_indices = #map1}, {transform_indices = #map1}, {transform_indices = #map}, {transform_indices = #map2}, {transform_indices = #map}, {transform_indices = #map1}]} {
    %mul3A = arith.constant 640 : i32
    %mul3A_0 = arith.muli %arg1, %mul3A : i32
    %mul3A_1 = arith.constant 625 : i32
    %mul3A_2 = arith.muli %arg1, %mul3A_1 : i32
    %mul3A_3 = arith.constant 64 : i32
    %mul3A_4 = arith.muli %arg0, %mul3A_3 : i32
    %mul3A_5 = arith.constant 625 : i32
    %mul3A_6 = arith.muli %arg1, %mul3A_5 : i32
    "tpu.region"() ({
      %run_scoped3A = tpu.sem_alloc : memref<!tpu.dma_semaphore, #tpu.memory_space<semaphore_mem>>
      %dma_start3A = arith.constant 0 : i32
      %dma_start3A_46 = tpu.memref_slice %arg15[%mul3A_6, %dma_start3A] : memref<10048x64xf32, #tpu.memory_space<vmem_shared>> -> memref<625x64xf32, #tpu.memory_space<vmem_shared>>
      %dma_start3A_47 = tpu.memref_slice %arg2[%mul3A_2, %mul3A_4] : memref<10000x128xf32, #tpu.memory_space<hbm>> -> memref<625x64xf32, #tpu.memory_space<hbm>>
      tpu.enqueue_dma source(%dma_start3A_47 : memref<625x64xf32, #tpu.memory_space<hbm>>) target(%dma_start3A_46 : memref<625x64xf32, #tpu.memory_space<vmem_shared>>) target_semaphore(%run_scoped3A : memref<!tpu.dma_semaphore, #tpu.memory_space<semaphore_mem>>)
      %dma_wait3A = arith.constant 0 : i32
      %dma_wait3A_48 = tpu.memref_slice %arg15[%mul3A_6, %dma_wait3A] : memref<10048x64xf32, #tpu.memory_space<vmem_shared>> -> memref<625x64xf32, #tpu.memory_space<vmem_shared>>
      %dma_wait3A_49 = tpu.memref_slice %arg2[%mul3A_2, %mul3A_4] : memref<10000x128xf32, #tpu.memory_space<hbm>> -> memref<625x64xf32, #tpu.memory_space<hbm>>
      tpu.wait_dma2 semaphore(%run_scoped3A : memref<!tpu.dma_semaphore, #tpu.memory_space<semaphore_mem>>) src(%dma_wait3A_49 : memref<625x64xf32, #tpu.memory_space<hbm>>) dst(%dma_wait3A_48 : memref<625x64xf32, #tpu.memory_space<vmem_shared>>)
      tpu.yield
    }) : () -> ()
    "tpu.region"() ({
      %run_scoped3A = tpu.sem_alloc : memref<!tpu.dma_semaphore, #tpu.memory_space<semaphore_mem>>
      tpu.enqueue_dma source(%arg6 : memref<80xi32, #tpu.memory_space<hbm>>) target(%arg14 : memref<80xi32, #tpu.memory_space<vmem>>) target_semaphore(%run_scoped3A : memref<!tpu.dma_semaphore, #tpu.memory_space<semaphore_mem>>)
      tpu.wait_dma2 semaphore(%run_scoped3A : memref<!tpu.dma_semaphore, #tpu.memory_space<semaphore_mem>>) src(%arg6 : memref<80xi32, #tpu.memory_space<hbm>>) dst(%arg14 : memref<80xi32, #tpu.memory_space<vmem>>)
      tpu.yield
    }) : () -> ()
    %eq3A = arith.constant 0 : i32
    %eq3A_7 = arith.cmpi eq, %arg1, %eq3A : i32
    %convert_element_type3A = arith.extui %eq3A_7 : i1 to i32
    %cond3A = arith.constant 0 : i32
    %cond3A_8 = arith.cmpi ne, %convert_element_type3A, %cond3A : i32
    scf.if %cond3A_8 {
      "tpu.region"() ({
        %run_scoped3A = tpu.sem_alloc : memref<!tpu.dma_semaphore, #tpu.memory_space<semaphore_mem>>
        tpu.enqueue_dma source(%arg5 : memref<80x128xf32, #tpu.memory_space<hbm>>) target(%arg17 : memref<80x128xf32, #tpu.memory_space<vmem_shared>>) target_semaphore(%run_scoped3A : memref<!tpu.dma_semaphore, #tpu.memory_space<semaphore_mem>>)
        tpu.wait_dma2 semaphore(%run_scoped3A : memref<!tpu.dma_semaphore, #tpu.memory_space<semaphore_mem>>) src(%arg5 : memref<80x128xf32, #tpu.memory_space<hbm>>) dst(%arg17 : memref<80x128xf32, #tpu.memory_space<vmem_shared>>)
        tpu.yield
      }) : () -> ()
    } else {
    }
    %broadcast_in_dim3A = arith.constant 0.000000e+00 : f32
    %broadcast_in_dim3A_9 = vector.broadcast %broadcast_in_dim3A : f32 to vector<16xf32>
    %scan3A = arith.constant 0 : i32
    %scan3A_10 = arith.constant 0 : i32
    %scan3A_11 = arith.constant 128 : i32
    %scan3A_12 = arith.addi %scan3A_10, %scan3A_11 : i32
    %scan3A_13 = arith.constant 1 : i32
    scf.for %scan3A_46 = %scan3A_10 to %scan3A_12 step %scan3A_13  : i32 {
      %swap3A = arith.index_cast %scan3A_46 : i32 to index
      %swap3A_47 = arith.constant 0 : index
      %swap3A_48 = tpu.vector_load %arg11[%swap3A, %swap3A_47] {strides = array<i32>} : memref<128x64xf32, #tpu.memory_space<vmem>>, vector<16xf32>,
      tpu.vector_store %arg11[%swap3A, %swap3A_47], %broadcast_in_dim3A_9 {strides = array<i32>} : memref<128x64xf32, #tpu.memory_space<vmem>>, vector<16xf32>,
      %swap3A_49 = arith.index_cast %scan3A_46 : i32 to index
      %swap3A_50 = arith.constant 16 : index
      %swap3A_51 = tpu.vector_load %arg11[%swap3A_49, %swap3A_50] {strides = array<i32>} : memref<128x64xf32, #tpu.memory_space<vmem>>, vector<16xf32>,
      tpu.vector_store %arg11[%swap3A_49, %swap3A_50], %broadcast_in_dim3A_9 {strides = array<i32>} : memref<128x64xf32, #tpu.memory_space<vmem>>, vector<16xf32>,
      %swap3A_52 = arith.index_cast %scan3A_46 : i32 to index
      %swap3A_53 = arith.constant 32 : index
      %swap3A_54 = tpu.vector_load %arg11[%swap3A_52, %swap3A_53] {strides = array<i32>} : memref<128x64xf32, #tpu.memory_space<vmem>>, vector<16xf32>,
      tpu.vector_store %arg11[%swap3A_52, %swap3A_53], %broadcast_in_dim3A_9 {strides = array<i32>} : memref<128x64xf32, #tpu.memory_space<vmem>>, vector<16xf32>,
      %swap3A_55 = arith.index_cast %scan3A_46 : i32 to index
      %swap3A_56 = arith.constant 48 : index
      %swap3A_57 = tpu.vector_load %arg11[%swap3A_55, %swap3A_56] {strides = array<i32>} : memref<128x64xf32, #tpu.memory_space<vmem>>, vector<16xf32>,
      tpu.vector_store %arg11[%swap3A_55, %swap3A_56], %broadcast_in_dim3A_9 {strides = array<i32>} : memref<128x64xf32, #tpu.memory_space<vmem>>, vector<16xf32>,
    }
    %scan3A_14 = arith.constant 128 : i32
    %scan3A_15 = arith.constant 0 : i32
    %scan3A_16 = arith.constant 0 : i32
    %scan3A_17 = arith.constant 80 : i32
    %scan3A_18 = arith.addi %scan3A_16, %scan3A_17 : i32
    %scan3A_19 = arith.constant 1 : i32
    scf.for %scan3A_46 = %scan3A_16 to %scan3A_18 step %scan3A_19  : i32 {
      %swap3A = arith.index_cast %scan3A_46 : i32 to index
      %swap3A_47 = arith.constant 0 : index
      %swap3A_48 = tpu.vector_load %arg13[%swap3A, %swap3A_47] {strides = array<i32>} : memref<80x128xf32, #tpu.memory_space<vmem>>, vector<16xf32>,
      tpu.vector_store %arg13[%swap3A, %swap3A_47], %broadcast_in_dim3A_9 {strides = array<i32>} : memref<80x128xf32, #tpu.memory_space<vmem>>, vector<16xf32>,
      %swap3A_49 = arith.index_cast %scan3A_46 : i32 to index
      %swap3A_50 = arith.constant 16 : index
      %swap3A_51 = tpu.vector_load %arg13[%swap3A_49, %swap3A_50] {strides = array<i32>} : memref<80x128xf32, #tpu.memory_space<vmem>>, vector<16xf32>,
      tpu.vector_store %arg13[%swap3A_49, %swap3A_50], %broadcast_in_dim3A_9 {strides = array<i32>} : memref<80x128xf32, #tpu.memory_space<vmem>>, vector<16xf32>,
      %swap3A_52 = arith.index_cast %scan3A_46 : i32 to index
      %swap3A_53 = arith.constant 32 : index
      %swap3A_54 = tpu.vector_load %arg13[%swap3A_52, %swap3A_53] {strides = array<i32>} : memref<80x128xf32, #tpu.memory_space<vmem>>, vector<16xf32>,
      tpu.vector_store %arg13[%swap3A_52, %swap3A_53], %broadcast_in_dim3A_9 {strides = array<i32>} : memref<80x128xf32, #tpu.memory_space<vmem>>, vector<16xf32>,
      %swap3A_55 = arith.index_cast %scan3A_46 : i32 to index
      %swap3A_56 = arith.constant 48 : index
      %swap3A_57 = tpu.vector_load %arg13[%swap3A_55, %swap3A_56] {strides = array<i32>} : memref<80x128xf32, #tpu.memory_space<vmem>>, vector<16xf32>,
      tpu.vector_store %arg13[%swap3A_55, %swap3A_56], %broadcast_in_dim3A_9 {strides = array<i32>} : memref<80x128xf32, #tpu.memory_space<vmem>>, vector<16xf32>,
      %swap3A_58 = arith.index_cast %scan3A_46 : i32 to index
      %swap3A_59 = arith.constant 64 : index
      %swap3A_60 = tpu.vector_load %arg13[%swap3A_58, %swap3A_59] {strides = array<i32>} : memref<80x128xf32, #tpu.memory_space<vmem>>, vector<16xf32>,
      tpu.vector_store %arg13[%swap3A_58, %swap3A_59], %broadcast_in_dim3A_9 {strides = array<i32>} : memref<80x128xf32, #tpu.memory_space<vmem>>, vector<16xf32>,
      %swap3A_61 = arith.index_cast %scan3A_46 : i32 to index
      %swap3A_62 = arith.constant 80 : index
      %swap3A_63 = tpu.vector_load %arg13[%swap3A_61, %swap3A_62] {strides = array<i32>} : memref<80x128xf32, #tpu.memory_space<vmem>>, vector<16xf32>,
      tpu.vector_store %arg13[%swap3A_61, %swap3A_62], %broadcast_in_dim3A_9 {strides = array<i32>} : memref<80x128xf32, #tpu.memory_space<vmem>>, vector<16xf32>,
      %swap3A_64 = arith.index_cast %scan3A_46 : i32 to index
      %swap3A_65 = arith.constant 96 : index
      %swap3A_66 = tpu.vector_load %arg13[%swap3A_64, %swap3A_65] {strides = array<i32>} : memref<80x128xf32, #tpu.memory_space<vmem>>, vector<16xf32>,
      tpu.vector_store %arg13[%swap3A_64, %swap3A_65], %broadcast_in_dim3A_9 {strides = array<i32>} : memref<80x128xf32, #tpu.memory_space<vmem>>, vector<16xf32>,
      %swap3A_67 = arith.index_cast %scan3A_46 : i32 to index
      %swap3A_68 = arith.constant 112 : index
      %swap3A_69 = tpu.vector_load %arg13[%swap3A_67, %swap3A_68] {strides = array<i32>} : memref<80x128xf32, #tpu.memory_space<vmem>>, vector<16xf32>,
      tpu.vector_store %arg13[%swap3A_67, %swap3A_68], %broadcast_in_dim3A_9 {strides = array<i32>} : memref<80x128xf32, #tpu.memory_space<vmem>>, vector<16xf32>,
    }
    %scan3A_20 = arith.constant 80 : i32
    %add3A = arith.constant 0 : i32
    %add3A_21 = arith.addi %mul3A_0, %add3A : i32
    "tpu.region"() ({
      %run_scoped3A = tpu.sem_alloc : memref<!tpu.dma_semaphore, #tpu.memory_space<semaphore_mem>>
      %dma_start3A = arith.constant 0 : i32
      %dma_start3A_46 = tpu.memref_slice %arg16[%add3A_21, %dma_start3A] : memref<10240x64xf32, #tpu.memory_space<vmem_shared>> -> memref<128x64xf32, #tpu.memory_space<vmem_shared>>
      %dma_start3A_47 = arith.constant 0 : i32
      %dma_start3A_48 = tpu.memref_slice %arg16[%add3A_21, %dma_start3A_47] : memref<10240x64xf32, #tpu.memory_space<vmem_shared>> -> memref<128x64xf32, #tpu.memory_space<vmem_shared>>
      tpu.enqueue_dma source(%arg11 : memref<128x64xf32, #tpu.memory_space<vmem>>) target(%dma_start3A_48 : memref<128x64xf32, #tpu.memory_space<vmem_shared>>) target_semaphore(%run_scoped3A : memref<!tpu.dma_semaphore, #tpu.memory_space<semaphore_mem>>)
      %dma_wait3A = arith.constant 0 : i32
      %dma_wait3A_49 = tpu.memref_slice %arg16[%add3A_21, %dma_wait3A] : memref<10240x64xf32, #tpu.memory_space<vmem_shared>> -> memref<128x64xf32, #tpu.memory_space<vmem_shared>>
      %dma_wait3A_50 = arith.constant 0 : i32
      %dma_wait3A_51 = tpu.memref_slice %arg16[%add3A_21, %dma_wait3A_50] : memref<10240x64xf32, #tpu.memory_space<vmem_shared>> -> memref<128x64xf32, #tpu.memory_space<vmem_shared>>
      tpu.wait_dma2 semaphore(%run_scoped3A : memref<!tpu.dma_semaphore, #tpu.memory_space<semaphore_mem>>) src(%arg11 : memref<128x64xf32, #tpu.memory_space<vmem>>) dst(%dma_wait3A_51 : memref<128x64xf32, #tpu.memory_space<vmem_shared>>)
      tpu.yield
    }) : () -> ()
    %add3A_22 = arith.constant 128 : i32
    %add3A_23 = arith.addi %mul3A_0, %add3A_22 : i32
    "tpu.region"() ({
      %run_scoped3A = tpu.sem_alloc : memref<!tpu.dma_semaphore, #tpu.memory_space<semaphore_mem>>
      %dma_start3A = arith.constant 0 : i32
      %dma_start3A_46 = tpu.memref_slice %arg16[%add3A_23, %dma_start3A] : memref<10240x64xf32, #tpu.memory_space<vmem_shared>> -> memref<128x64xf32, #tpu.memory_space<vmem_shared>>
      %dma_start3A_47 = arith.constant 0 : i32
      %dma_start3A_48 = tpu.memref_slice %arg16[%add3A_23, %dma_start3A_47] : memref<10240x64xf32, #tpu.memory_space<vmem_shared>> -> memref<128x64xf32, #tpu.memory_space<vmem_shared>>
      tpu.enqueue_dma source(%arg11 : memref<128x64xf32, #tpu.memory_space<vmem>>) target(%dma_start3A_48 : memref<128x64xf32, #tpu.memory_space<vmem_shared>>) target_semaphore(%run_scoped3A : memref<!tpu.dma_semaphore, #tpu.memory_space<semaphore_mem>>)
      %dma_wait3A = arith.constant 0 : i32
      %dma_wait3A_49 = tpu.memref_slice %arg16[%add3A_23, %dma_wait3A] : memref<10240x64xf32, #tpu.memory_space<vmem_shared>> -> memref<128x64xf32, #tpu.memory_space<vmem_shared>>
      %dma_wait3A_50 = arith.constant 0 : i32
      %dma_wait3A_51 = tpu.memref_slice %arg16[%add3A_23, %dma_wait3A_50] : memref<10240x64xf32, #tpu.memory_space<vmem_shared>> -> memref<128x64xf32, #tpu.memory_space<vmem_shared>>
      tpu.wait_dma2 semaphore(%run_scoped3A : memref<!tpu.dma_semaphore, #tpu.memory_space<semaphore_mem>>) src(%arg11 : memref<128x64xf32, #tpu.memory_space<vmem>>) dst(%dma_wait3A_51 : memref<128x64xf32, #tpu.memory_space<vmem_shared>>)
      tpu.yield
    }) : () -> ()
    %add3A_24 = arith.constant 256 : i32
    %add3A_25 = arith.addi %mul3A_0, %add3A_24 : i32
    "tpu.region"() ({
      %run_scoped3A = tpu.sem_alloc : memref<!tpu.dma_semaphore, #tpu.memory_space<semaphore_mem>>
      %dma_start3A = arith.constant 0 : i32
      %dma_start3A_46 = tpu.memref_slice %arg16[%add3A_25, %dma_start3A] : memref<10240x64xf32, #tpu.memory_space<vmem_shared>> -> memref<128x64xf32, #tpu.memory_space<vmem_shared>>
      %dma_start3A_47 = arith.constant 0 : i32
      %dma_start3A_48 = tpu.memref_slice %arg16[%add3A_25, %dma_start3A_47] : memref<10240x64xf32, #tpu.memory_space<vmem_shared>> -> memref<128x64xf32, #tpu.memory_space<vmem_shared>>
      tpu.enqueue_dma source(%arg11 : memref<128x64xf32, #tpu.memory_space<vmem>>) target(%dma_start3A_48 : memref<128x64xf32, #tpu.memory_space<vmem_shared>>) target_semaphore(%run_scoped3A : memref<!tpu.dma_semaphore, #tpu.memory_space<semaphore_mem>>)
      %dma_wait3A = arith.constant 0 : i32
      %dma_wait3A_49 = tpu.memref_slice %arg16[%add3A_25, %dma_wait3A] : memref<10240x64xf32, #tpu.memory_space<vmem_shared>> -> memref<128x64xf32, #tpu.memory_space<vmem_shared>>
      %dma_wait3A_50 = arith.constant 0 : i32
      %dma_wait3A_51 = tpu.memref_slice %arg16[%add3A_25, %dma_wait3A_50] : memref<10240x64xf32, #tpu.memory_space<vmem_shared>> -> memref<128x64xf32, #tpu.memory_space<vmem_shared>>
      tpu.wait_dma2 semaphore(%run_scoped3A : memref<!tpu.dma_semaphore, #tpu.memory_space<semaphore_mem>>) src(%arg11 : memref<128x64xf32, #tpu.memory_space<vmem>>) dst(%dma_wait3A_51 : memref<128x64xf32, #tpu.memory_space<vmem_shared>>)
      tpu.yield
    }) : () -> ()
    %add3A_26 = arith.constant 384 : i32
    %add3A_27 = arith.addi %mul3A_0, %add3A_26 : i32
    "tpu.region"() ({
      %run_scoped3A = tpu.sem_alloc : memref<!tpu.dma_semaphore, #tpu.memory_space<semaphore_mem>>
      %dma_start3A = arith.constant 0 : i32
      %dma_start3A_46 = tpu.memref_slice %arg16[%add3A_27, %dma_start3A] : memref<10240x64xf32, #tpu.memory_space<vmem_shared>> -> memref<128x64xf32, #tpu.memory_space<vmem_shared>>
      %dma_start3A_47 = arith.constant 0 : i32
      %dma_start3A_48 = tpu.memref_slice %arg16[%add3A_27, %dma_start3A_47] : memref<10240x64xf32, #tpu.memory_space<vmem_shared>> -> memref<128x64xf32, #tpu.memory_space<vmem_shared>>
      tpu.enqueue_dma source(%arg11 : memref<128x64xf32, #tpu.memory_space<vmem>>) target(%dma_start3A_48 : memref<128x64xf32, #tpu.memory_space<vmem_shared>>) target_semaphore(%run_scoped3A : memref<!tpu.dma_semaphore, #tpu.memory_space<semaphore_mem>>)
      %dma_wait3A = arith.constant 0 : i32
      %dma_wait3A_49 = tpu.memref_slice %arg16[%add3A_27, %dma_wait3A] : memref<10240x64xf32, #tpu.memory_space<vmem_shared>> -> memref<128x64xf32, #tpu.memory_space<vmem_shared>>
      %dma_wait3A_50 = arith.constant 0 : i32
      %dma_wait3A_51 = tpu.memref_slice %arg16[%add3A_27, %dma_wait3A_50] : memref<10240x64xf32, #tpu.memory_space<vmem_shared>> -> memref<128x64xf32, #tpu.memory_space<vmem_shared>>
      tpu.wait_dma2 semaphore(%run_scoped3A : memref<!tpu.dma_semaphore, #tpu.memory_space<semaphore_mem>>) src(%arg11 : memref<128x64xf32, #tpu.memory_space<vmem>>) dst(%dma_wait3A_51 : memref<128x64xf32, #tpu.memory_space<vmem_shared>>)
      tpu.yield
    }) : () -> ()
    %add3A_28 = arith.constant 512 : i32
    %add3A_29 = arith.addi %mul3A_0, %add3A_28 : i32
    "tpu.region"() ({
      %run_scoped3A = tpu.sem_alloc : memref<!tpu.dma_semaphore, #tpu.memory_space<semaphore_mem>>
      %dma_start3A = arith.constant 0 : i32
      %dma_start3A_46 = tpu.memref_slice %arg16[%add3A_29, %dma_start3A] : memref<10240x64xf32, #tpu.memory_space<vmem_shared>> -> memref<128x64xf32, #tpu.memory_space<vmem_shared>>
      %dma_start3A_47 = arith.constant 0 : i32
      %dma_start3A_48 = tpu.memref_slice %arg16[%add3A_29, %dma_start3A_47] : memref<10240x64xf32, #tpu.memory_space<vmem_shared>> -> memref<128x64xf32, #tpu.memory_space<vmem_shared>>
      tpu.enqueue_dma source(%arg11 : memref<128x64xf32, #tpu.memory_space<vmem>>) target(%dma_start3A_48 : memref<128x64xf32, #tpu.memory_space<vmem_shared>>) target_semaphore(%run_scoped3A : memref<!tpu.dma_semaphore, #tpu.memory_space<semaphore_mem>>)
      %dma_wait3A = arith.constant 0 : i32
      %dma_wait3A_49 = tpu.memref_slice %arg16[%add3A_29, %dma_wait3A] : memref<10240x64xf32, #tpu.memory_space<vmem_shared>> -> memref<128x64xf32, #tpu.memory_space<vmem_shared>>
      %dma_wait3A_50 = arith.constant 0 : i32
      %dma_wait3A_51 = tpu.memref_slice %arg16[%add3A_29, %dma_wait3A_50] : memref<10240x64xf32, #tpu.memory_space<vmem_shared>> -> memref<128x64xf32, #tpu.memory_space<vmem_shared>>
      tpu.wait_dma2 semaphore(%run_scoped3A : memref<!tpu.dma_semaphore, #tpu.memory_space<semaphore_mem>>) src(%arg11 : memref<128x64xf32, #tpu.memory_space<vmem>>) dst(%dma_wait3A_51 : memref<128x64xf32, #tpu.memory_space<vmem_shared>>)
      tpu.yield
    }) : () -> ()
    %barrier3A = arith.constant 0 : index
    tpu.barrier barrier_id(%barrier3A)
    %broadcast_in_dim3A_30 = arith.constant 1.000000e+00 : f32
    %broadcast_in_dim3A_31 = vector.broadcast %broadcast_in_dim3A_30 : f32 to vector<16xf32>
    %scan3A_32 = arith.constant 0 : i32
    %scan3A_33 = arith.constant 0 : i32
    %scan3A_34 = arith.constant 2 : i32
    %scan3A_35 = arith.addi %scan3A_33, %scan3A_34 : i32
    %scan3A_36 = arith.constant 1 : i32
    scf.for %scan3A_46 = %scan3A_33 to %scan3A_35 step %scan3A_36  : i32 {
      %mul3A_47 = arith.constant 80 : i32
      %mul3A_48 = arith.muli %scan3A_46, %mul3A_47 : i32
      "tpu.region"() ({
        %run_scoped3A = tpu.sem_alloc : memref<!tpu.dma_semaphore, #tpu.memory_space<semaphore_mem>>
        %dma_start3A = arith.constant 0 : i32
        %dma_start3A_57 = tpu.memref_slice %arg3[%arg1, %mul3A_48, %dma_start3A] : memref<16x160x128xi32, #tpu.memory_space<hbm>> -> memref<1x80x128xi32, #tpu.memory_space<hbm>>
        %dma_start3A_58 = tpu.memref_squeeze %dma_start3A_57 : memref<1x80x128xi32, #tpu.memory_space<hbm>> -> memref<80x128xi32, #tpu.memory_space<hbm>>
        %dma_start3A_59 = arith.constant 0 : i32
        %dma_start3A_60 = tpu.memref_slice %arg3[%arg1, %mul3A_48, %dma_start3A_59] : memref<16x160x128xi32, #tpu.memory_space<hbm>> -> memref<1x80x128xi32, #tpu.memory_space<hbm>>
        %dma_start3A_61 = tpu.memref_squeeze %dma_start3A_60 : memref<1x80x128xi32, #tpu.memory_space<hbm>> -> memref<80x128xi32, #tpu.memory_space<hbm>>
        tpu.enqueue_dma source(%dma_start3A_61 : memref<80x128xi32, #tpu.memory_space<hbm>>) target(%arg9 : memref<80x128xi32, #tpu.memory_space<vmem>>) target_semaphore(%run_scoped3A : memref<!tpu.dma_semaphore, #tpu.memory_space<semaphore_mem>>)
        %dma_wait3A = arith.constant 0 : i32
        %dma_wait3A_62 = tpu.memref_slice %arg3[%arg1, %mul3A_48, %dma_wait3A] : memref<16x160x128xi32, #tpu.memory_space<hbm>> -> memref<1x80x128xi32, #tpu.memory_space<hbm>>
        %dma_wait3A_63 = tpu.memref_squeeze %dma_wait3A_62 : memref<1x80x128xi32, #tpu.memory_space<hbm>> -> memref<80x128xi32, #tpu.memory_space<hbm>>
        %dma_wait3A_64 = arith.constant 0 : i32
        %dma_wait3A_65 = tpu.memref_slice %arg3[%arg1, %mul3A_48, %dma_wait3A_64] : memref<16x160x128xi32, #tpu.memory_space<hbm>> -> memref<1x80x128xi32, #tpu.memory_space<hbm>>
        %dma_wait3A_66 = tpu.memref_squeeze %dma_wait3A_65 : memref<1x80x128xi32, #tpu.memory_space<hbm>> -> memref<80x128xi32, #tpu.memory_space<hbm>>
        tpu.wait_dma2 semaphore(%run_scoped3A : memref<!tpu.dma_semaphore, #tpu.memory_space<semaphore_mem>>) src(%dma_wait3A_66 : memref<80x128xi32, #tpu.memory_space<hbm>>) dst(%arg9 : memref<80x128xi32, #tpu.memory_space<vmem>>)
        tpu.yield
      }) : () -> ()
      %mul3A_49 = arith.constant 80 : i32
      %mul3A_50 = arith.muli %scan3A_46, %mul3A_49 : i32
      "tpu.region"() ({
        %run_scoped3A = tpu.sem_alloc : memref<!tpu.dma_semaphore, #tpu.memory_space<semaphore_mem>>
        %dma_start3A = arith.constant 0 : i32
        %dma_start3A_57 = tpu.memref_slice %arg4[%arg1, %mul3A_50, %dma_start3A] : memref<16x160x128xi32, #tpu.memory_space<hbm>> -> memref<1x80x128xi32, #tpu.memory_space<hbm>>
        %dma_start3A_58 = tpu.memref_squeeze %dma_start3A_57 : memref<1x80x128xi32, #tpu.memory_space<hbm>> -> memref<80x128xi32, #tpu.memory_space<hbm>>
        %dma_start3A_59 = arith.constant 0 : i32
        %dma_start3A_60 = tpu.memref_slice %arg4[%arg1, %mul3A_50, %dma_start3A_59] : memref<16x160x128xi32, #tpu.memory_space<hbm>> -> memref<1x80x128xi32, #tpu.memory_space<hbm>>
        %dma_start3A_61 = tpu.memref_squeeze %dma_start3A_60 : memref<1x80x128xi32, #tpu.memory_space<hbm>> -> memref<80x128xi32, #tpu.memory_space<hbm>>
        tpu.enqueue_dma source(%dma_start3A_61 : memref<80x128xi32, #tpu.memory_space<hbm>>) target(%arg10 : memref<80x128xi32, #tpu.memory_space<vmem>>) target_semaphore(%run_scoped3A : memref<!tpu.dma_semaphore, #tpu.memory_space<semaphore_mem>>)
        %dma_wait3A = arith.constant 0 : i32
        %dma_wait3A_62 = tpu.memref_slice %arg4[%arg1, %mul3A_50, %dma_wait3A] : memref<16x160x128xi32, #tpu.memory_space<hbm>> -> memref<1x80x128xi32, #tpu.memory_space<hbm>>
        %dma_wait3A_63 = tpu.memref_squeeze %dma_wait3A_62 : memref<1x80x128xi32, #tpu.memory_space<hbm>> -> memref<80x128xi32, #tpu.memory_space<hbm>>
        %dma_wait3A_64 = arith.constant 0 : i32
        %dma_wait3A_65 = tpu.memref_slice %arg4[%arg1, %mul3A_50, %dma_wait3A_64] : memref<16x160x128xi32, #tpu.memory_space<hbm>> -> memref<1x80x128xi32, #tpu.memory_space<hbm>>
        %dma_wait3A_66 = tpu.memref_squeeze %dma_wait3A_65 : memref<1x80x128xi32, #tpu.memory_space<hbm>> -> memref<80x128xi32, #tpu.memory_space<hbm>>
        tpu.wait_dma2 semaphore(%run_scoped3A : memref<!tpu.dma_semaphore, #tpu.memory_space<semaphore_mem>>) src(%dma_wait3A_66 : memref<80x128xi32, #tpu.memory_space<hbm>>) dst(%arg10 : memref<80x128xi32, #tpu.memory_space<vmem>>)
        tpu.yield
      }) : () -> ()
      %scan3A_51 = arith.constant 0 : i32
      %scan3A_52 = arith.constant 0 : i32
      %scan3A_53 = arith.constant 40 : i32
      %scan3A_54 = arith.addi %scan3A_52, %scan3A_53 : i32
      %scan3A_55 = arith.constant 1 : i32
      scf.for %scan3A_57 = %scan3A_52 to %scan3A_54 step %scan3A_55  : i32 {
        %mul3A_58 = arith.constant 2 : i32
        %mul3A_59 = arith.muli %scan3A_57, %mul3A_58 : i32
        %dma_start3A = arith.constant 0 : i32
        %dma_start3A_60 = tpu.memref_slice %arg9[%mul3A_59, %dma_start3A] : memref<80x128xi32, #tpu.memory_space<vmem>> -> memref<1x128xi32, #tpu.memory_space<vmem>>
        %dma_start3A_61 = tpu.memref_squeeze %dma_start3A_60 : memref<1x128xi32, #tpu.memory_space<vmem>> -> memref<128xi32, #tpu.memory_space<vmem>>
        %dma_start3A_62 = arith.constant 0 : i32
        %dma_start3A_63 = arith.constant 0 : i32
        %dma_start3A_64 = tpu.memref_slice %arg15[%dma_start3A_62, %dma_start3A_63] : memref<10048x64xf32, #tpu.memory_space<vmem_shared>> -> memref<10048x64xf32, #tpu.memory_space<vmem_shared>>
        tpu.enqueue_indirect_dma source(%dma_start3A_64 : memref<10048x64xf32, #tpu.memory_space<vmem_shared>>) target(%arg11 : memref<128x64xf32, #tpu.memory_space<vmem>>) offsets(%dma_start3A_61 : memref<128xi32, #tpu.memory_space<vmem>>) semaphore(%arg18 : memref<!tpu.dma_semaphore, #tpu.memory_space<semaphore_mem>>)
        %add3A_65 = arith.constant 1 : i32
        %add3A_66 = arith.addi %mul3A_59, %add3A_65 : i32
        %dma_start3A_67 = arith.constant 0 : i32
        %dma_start3A_68 = tpu.memref_slice %arg9[%add3A_66, %dma_start3A_67] : memref<80x128xi32, #tpu.memory_space<vmem>> -> memref<1x128xi32, #tpu.memory_space<vmem>>
        %dma_start3A_69 = tpu.memref_squeeze %dma_start3A_68 : memref<1x128xi32, #tpu.memory_space<vmem>> -> memref<128xi32, #tpu.memory_space<vmem>>
        %dma_start3A_70 = arith.constant 0 : i32
        %dma_start3A_71 = arith.constant 0 : i32
        %dma_start3A_72 = tpu.memref_slice %arg15[%dma_start3A_70, %dma_start3A_71] : memref<10048x64xf32, #tpu.memory_space<vmem_shared>> -> memref<10048x64xf32, #tpu.memory_space<vmem_shared>>
        tpu.enqueue_indirect_dma source(%dma_start3A_72 : memref<10048x64xf32, #tpu.memory_space<vmem_shared>>) target(%arg12 : memref<128x64xf32, #tpu.memory_space<vmem>>) offsets(%dma_start3A_69 : memref<128xi32, #tpu.memory_space<vmem>>) semaphore(%arg19 : memref<!tpu.dma_semaphore, #tpu.memory_space<semaphore_mem>>)
        %get3A = arith.index_cast %mul3A_59 : i32 to index
        %get3A_73 = arith.constant 0 : index
        %get3A_74 = tpu.vector_load %arg10[%get3A, %get3A_73] {strides = array<i32>} : memref<80x128xi32, #tpu.memory_space<vmem>>, vector<16xi32>,
        %shift_right_logical3A = arith.constant 7 : i32
        %shift_right_logical3A_75 = vector.broadcast %shift_right_logical3A : i32 to vector<16xi32>
        %shift_right_logical3A_76 = arith.shrui %get3A_74, %shift_right_logical3A_75 : vector<16xi32>
        %and3A = arith.constant 127 : i32
        %and3A_77 = vector.broadcast %and3A : i32 to vector<16xi32>
        %and3A_78 = arith.andi %get3A_74, %and3A_77 : vector<16xi32>
        tpu.vector_store_idx %arg13[%shift_right_logical3A_76, %and3A_78], %broadcast_in_dim3A_31 {add = true} : memref<80x128xf32, #tpu.memory_space<vmem>>[vector<16xi32>, vector<16xi32>], vector<16xf32>,
        %get3A_79 = arith.index_cast %mul3A_59 : i32 to index
        %get3A_80 = arith.constant 16 : index
        %get3A_81 = tpu.vector_load %arg10[%get3A_79, %get3A_80] {strides = array<i32>} : memref<80x128xi32, #tpu.memory_space<vmem>>, vector<16xi32>,
        %shift_right_logical3A_82 = arith.constant 7 : i32
        %shift_right_logical3A_83 = vector.broadcast %shift_right_logical3A_82 : i32 to vector<16xi32>
        %shift_right_logical3A_84 = arith.shrui %get3A_81, %shift_right_logical3A_83 : vector<16xi32>
        %and3A_85 = arith.constant 127 : i32
        %and3A_86 = vector.broadcast %and3A_85 : i32 to vector<16xi32>
        %and3A_87 = arith.andi %get3A_81, %and3A_86 : vector<16xi32>
        tpu.vector_store_idx %arg13[%shift_right_logical3A_84, %and3A_87], %broadcast_in_dim3A_31 {add = true} : memref<80x128xf32, #tpu.memory_space<vmem>>[vector<16xi32>, vector<16xi32>], vector<16xf32>,
        %get3A_88 = arith.index_cast %mul3A_59 : i32 to index
        %get3A_89 = arith.constant 32 : index
        %get3A_90 = tpu.vector_load %arg10[%get3A_88, %get3A_89] {strides = array<i32>} : memref<80x128xi32, #tpu.memory_space<vmem>>, vector<16xi32>,
        %shift_right_logical3A_91 = arith.constant 7 : i32
        %shift_right_logical3A_92 = vector.broadcast %shift_right_logical3A_91 : i32 to vector<16xi32>
        %shift_right_logical3A_93 = arith.shrui %get3A_90, %shift_right_logical3A_92 : vector<16xi32>
        %and3A_94 = arith.constant 127 : i32
        %and3A_95 = vector.broadcast %and3A_94 : i32 to vector<16xi32>
        %and3A_96 = arith.andi %get3A_90, %and3A_95 : vector<16xi32>
        tpu.vector_store_idx %arg13[%shift_right_logical3A_93, %and3A_96], %broadcast_in_dim3A_31 {add = true} : memref<80x128xf32, #tpu.memory_space<vmem>>[vector<16xi32>, vector<16xi32>], vector<16xf32>,
        %get3A_97 = arith.index_cast %mul3A_59 : i32 to index
        %get3A_98 = arith.constant 48 : index
        %get3A_99 = tpu.vector_load %arg10[%get3A_97, %get3A_98] {strides = array<i32>} : memref<80x128xi32, #tpu.memory_space<vmem>>, vector<16xi32>,
        %shift_right_logical3A_100 = arith.constant 7 : i32
        %shift_right_logical3A_101 = vector.broadcast %shift_right_logical3A_100 : i32 to vector<16xi32>
        %shift_right_logical3A_102 = arith.shrui %get3A_99, %shift_right_logical3A_101 : vector<16xi32>
        %and3A_103 = arith.constant 127 : i32
        %and3A_104 = vector.broadcast %and3A_103 : i32 to vector<16xi32>
        %and3A_105 = arith.andi %get3A_99, %and3A_104 : vector<16xi32>
        tpu.vector_store_idx %arg13[%shift_right_logical3A_102, %and3A_105], %broadcast_in_dim3A_31 {add = true} : memref<80x128xf32, #tpu.memory_space<vmem>>[vector<16xi32>, vector<16xi32>], vector<16xf32>,
        %get3A_106 = arith.index_cast %mul3A_59 : i32 to index
        %get3A_107 = arith.constant 64 : index
        %get3A_108 = tpu.vector_load %arg10[%get3A_106, %get3A_107] {strides = array<i32>} : memref<80x128xi32, #tpu.memory_space<vmem>>, vector<16xi32>,
        %shift_right_logical3A_109 = arith.constant 7 : i32
        %shift_right_logical3A_110 = vector.broadcast %shift_right_logical3A_109 : i32 to vector<16xi32>
        %shift_right_logical3A_111 = arith.shrui %get3A_108, %shift_right_logical3A_110 : vector<16xi32>
        %and3A_112 = arith.constant 127 : i32
        %and3A_113 = vector.broadcast %and3A_112 : i32 to vector<16xi32>
        %and3A_114 = arith.andi %get3A_108, %and3A_113 : vector<16xi32>
        tpu.vector_store_idx %arg13[%shift_right_logical3A_111, %and3A_114], %broadcast_in_dim3A_31 {add = true} : memref<80x128xf32, #tpu.memory_space<vmem>>[vector<16xi32>, vector<16xi32>], vector<16xf32>,
        %get3A_115 = arith.index_cast %mul3A_59 : i32 to index
        %get3A_116 = arith.constant 80 : index
        %get3A_117 = tpu.vector_load %arg10[%get3A_115, %get3A_116] {strides = array<i32>} : memref<80x128xi32, #tpu.memory_space<vmem>>, vector<16xi32>,
        %shift_right_logical3A_118 = arith.constant 7 : i32
        %shift_right_logical3A_119 = vector.broadcast %shift_right_logical3A_118 : i32 to vector<16xi32>
        %shift_right_logical3A_120 = arith.shrui %get3A_117, %shift_right_logical3A_119 : vector<16xi32>
        %and3A_121 = arith.constant 127 : i32
        %and3A_122 = vector.broadcast %and3A_121 : i32 to vector<16xi32>
        %and3A_123 = arith.andi %get3A_117, %and3A_122 : vector<16xi32>
        tpu.vector_store_idx %arg13[%shift_right_logical3A_120, %and3A_123], %broadcast_in_dim3A_31 {add = true} : memref<80x128xf32, #tpu.memory_space<vmem>>[vector<16xi32>, vector<16xi32>], vector<16xf32>,
        %get3A_124 = arith.index_cast %mul3A_59 : i32 to index
        %get3A_125 = arith.constant 96 : index
        %get3A_126 = tpu.vector_load %arg10[%get3A_124, %get3A_125] {strides = array<i32>} : memref<80x128xi32, #tpu.memory_space<vmem>>, vector<16xi32>,
        %shift_right_logical3A_127 = arith.constant 7 : i32
        %shift_right_logical3A_128 = vector.broadcast %shift_right_logical3A_127 : i32 to vector<16xi32>
        %shift_right_logical3A_129 = arith.shrui %get3A_126, %shift_right_logical3A_128 : vector<16xi32>
        %and3A_130 = arith.constant 127 : i32
        %and3A_131 = vector.broadcast %and3A_130 : i32 to vector<16xi32>
        %and3A_132 = arith.andi %get3A_126, %and3A_131 : vector<16xi32>
        tpu.vector_store_idx %arg13[%shift_right_logical3A_129, %and3A_132], %broadcast_in_dim3A_31 {add = true} : memref<80x128xf32, #tpu.memory_space<vmem>>[vector<16xi32>, vector<16xi32>], vector<16xf32>,
        %get3A_133 = arith.index_cast %mul3A_59 : i32 to index
        %get3A_134 = arith.constant 112 : index
        %get3A_135 = tpu.vector_load %arg10[%get3A_133, %get3A_134] {strides = array<i32>} : memref<80x128xi32, #tpu.memory_space<vmem>>, vector<16xi32>,
        %shift_right_logical3A_136 = arith.constant 7 : i32
        %shift_right_logical3A_137 = vector.broadcast %shift_right_logical3A_136 : i32 to vector<16xi32>
        %shift_right_logical3A_138 = arith.shrui %get3A_135, %shift_right_logical3A_137 : vector<16xi32>
        %and3A_139 = arith.constant 127 : i32
        %and3A_140 = vector.broadcast %and3A_139 : i32 to vector<16xi32>
        %and3A_141 = arith.andi %get3A_135, %and3A_140 : vector<16xi32>
        tpu.vector_store_idx %arg13[%shift_right_logical3A_138, %and3A_141], %broadcast_in_dim3A_31 {add = true} : memref<80x128xf32, #tpu.memory_space<vmem>>[vector<16xi32>, vector<16xi32>], vector<16xf32>,
        %add3A_142 = arith.constant 1 : i32
        %add3A_143 = arith.addi %mul3A_59, %add3A_142 : i32
        %get3A_144 = arith.index_cast %add3A_143 : i32 to index
        %get3A_145 = arith.constant 0 : index
        %get3A_146 = tpu.vector_load %arg10[%get3A_144, %get3A_145] {strides = array<i32>} : memref<80x128xi32, #tpu.memory_space<vmem>>, vector<16xi32>,
        %shift_right_logical3A_147 = arith.constant 7 : i32
        %shift_right_logical3A_148 = vector.broadcast %shift_right_logical3A_147 : i32 to vector<16xi32>
        %shift_right_logical3A_149 = arith.shrui %get3A_146, %shift_right_logical3A_148 : vector<16xi32>
        %and3A_150 = arith.constant 127 : i32
        %and3A_151 = vector.broadcast %and3A_150 : i32 to vector<16xi32>
        %and3A_152 = arith.andi %get3A_146, %and3A_151 : vector<16xi32>
        tpu.vector_store_idx %arg13[%shift_right_logical3A_149, %and3A_152], %broadcast_in_dim3A_31 {add = true} : memref<80x128xf32, #tpu.memory_space<vmem>>[vector<16xi32>, vector<16xi32>], vector<16xf32>,
        %get3A_153 = arith.index_cast %add3A_143 : i32 to index
        %get3A_154 = arith.constant 16 : index
        %get3A_155 = tpu.vector_load %arg10[%get3A_153, %get3A_154] {strides = array<i32>} : memref<80x128xi32, #tpu.memory_space<vmem>>, vector<16xi32>,
        %shift_right_logical3A_156 = arith.constant 7 : i32
        %shift_right_logical3A_157 = vector.broadcast %shift_right_logical3A_156 : i32 to vector<16xi32>
        %shift_right_logical3A_158 = arith.shrui %get3A_155, %shift_right_logical3A_157 : vector<16xi32>
        %and3A_159 = arith.constant 127 : i32
        %and3A_160 = vector.broadcast %and3A_159 : i32 to vector<16xi32>
        %and3A_161 = arith.andi %get3A_155, %and3A_160 : vector<16xi32>
        tpu.vector_store_idx %arg13[%shift_right_logical3A_158, %and3A_161], %broadcast_in_dim3A_31 {add = true} : memref<80x128xf32, #tpu.memory_space<vmem>>[vector<16xi32>, vector<16xi32>], vector<16xf32>,
        %get3A_162 = arith.index_cast %add3A_143 : i32 to index
        %get3A_163 = arith.constant 32 : index
        %get3A_164 = tpu.vector_load %arg10[%get3A_162, %get3A_163] {strides = array<i32>} : memref<80x128xi32, #tpu.memory_space<vmem>>, vector<16xi32>,
        %shift_right_logical3A_165 = arith.constant 7 : i32
        %shift_right_logical3A_166 = vector.broadcast %shift_right_logical3A_165 : i32 to vector<16xi32>
        %shift_right_logical3A_167 = arith.shrui %get3A_164, %shift_right_logical3A_166 : vector<16xi32>
        %and3A_168 = arith.constant 127 : i32
        %and3A_169 = vector.broadcast %and3A_168 : i32 to vector<16xi32>
        %and3A_170 = arith.andi %get3A_164, %and3A_169 : vector<16xi32>
        tpu.vector_store_idx %arg13[%shift_right_logical3A_167, %and3A_170], %broadcast_in_dim3A_31 {add = true} : memref<80x128xf32, #tpu.memory_space<vmem>>[vector<16xi32>, vector<16xi32>], vector<16xf32>,
        %get3A_171 = arith.index_cast %add3A_143 : i32 to index
        %get3A_172 = arith.constant 48 : index
        %get3A_173 = tpu.vector_load %arg10[%get3A_171, %get3A_172] {strides = array<i32>} : memref<80x128xi32, #tpu.memory_space<vmem>>, vector<16xi32>,
        %shift_right_logical3A_174 = arith.constant 7 : i32
        %shift_right_logical3A_175 = vector.broadcast %shift_right_logical3A_174 : i32 to vector<16xi32>
        %shift_right_logical3A_176 = arith.shrui %get3A_173, %shift_right_logical3A_175 : vector<16xi32>
        %and3A_177 = arith.constant 127 : i32
        %and3A_178 = vector.broadcast %and3A_177 : i32 to vector<16xi32>
        %and3A_179 = arith.andi %get3A_173, %and3A_178 : vector<16xi32>
        tpu.vector_store_idx %arg13[%shift_right_logical3A_176, %and3A_179], %broadcast_in_dim3A_31 {add = true} : memref<80x128xf32, #tpu.memory_space<vmem>>[vector<16xi32>, vector<16xi32>], vector<16xf32>,
        %get3A_180 = arith.index_cast %add3A_143 : i32 to index
        %get3A_181 = arith.constant 64 : index
        %get3A_182 = tpu.vector_load %arg10[%get3A_180, %get3A_181] {strides = array<i32>} : memref<80x128xi32, #tpu.memory_space<vmem>>, vector<16xi32>,
        %shift_right_logical3A_183 = arith.constant 7 : i32
        %shift_right_logical3A_184 = vector.broadcast %shift_right_logical3A_183 : i32 to vector<16xi32>
        %shift_right_logical3A_185 = arith.shrui %get3A_182, %shift_right_logical3A_184 : vector<16xi32>
        %and3A_186 = arith.constant 127 : i32
        %and3A_187 = vector.broadcast %and3A_186 : i32 to vector<16xi32>
        %and3A_188 = arith.andi %get3A_182, %and3A_187 : vector<16xi32>
        tpu.vector_store_idx %arg13[%shift_right_logical3A_185, %and3A_188], %broadcast_in_dim3A_31 {add = true} : memref<80x128xf32, #tpu.memory_space<vmem>>[vector<16xi32>, vector<16xi32>], vector<16xf32>,
        %get3A_189 = arith.index_cast %add3A_143 : i32 to index
        %get3A_190 = arith.constant 80 : index
        %get3A_191 = tpu.vector_load %arg10[%get3A_189, %get3A_190] {strides = array<i32>} : memref<80x128xi32, #tpu.memory_space<vmem>>, vector<16xi32>,
        %shift_right_logical3A_192 = arith.constant 7 : i32
        %shift_right_logical3A_193 = vector.broadcast %shift_right_logical3A_192 : i32 to vector<16xi32>
        %shift_right_logical3A_194 = arith.shrui %get3A_191, %shift_right_logical3A_193 : vector<16xi32>
        %and3A_195 = arith.constant 127 : i32
        %and3A_196 = vector.broadcast %and3A_195 : i32 to vector<16xi32>
        %and3A_197 = arith.andi %get3A_191, %and3A_196 : vector<16xi32>
        tpu.vector_store_idx %arg13[%shift_right_logical3A_194, %and3A_197], %broadcast_in_dim3A_31 {add = true} : memref<80x128xf32, #tpu.memory_space<vmem>>[vector<16xi32>, vector<16xi32>], vector<16xf32>,
        %get3A_198 = arith.index_cast %add3A_143 : i32 to index
        %get3A_199 = arith.constant 96 : index
        %get3A_200 = tpu.vector_load %arg10[%get3A_198, %get3A_199] {strides = array<i32>} : memref<80x128xi32, #tpu.memory_space<vmem>>, vector<16xi32>,
        %shift_right_logical3A_201 = arith.constant 7 : i32
        %shift_right_logical3A_202 = vector.broadcast %shift_right_logical3A_201 : i32 to vector<16xi32>
        %shift_right_logical3A_203 = arith.shrui %get3A_200, %shift_right_logical3A_202 : vector<16xi32>
        %and3A_204 = arith.constant 127 : i32
        %and3A_205 = vector.broadcast %and3A_204 : i32 to vector<16xi32>
        %and3A_206 = arith.andi %get3A_200, %and3A_205 : vector<16xi32>
        tpu.vector_store_idx %arg13[%shift_right_logical3A_203, %and3A_206], %broadcast_in_dim3A_31 {add = true} : memref<80x128xf32, #tpu.memory_space<vmem>>[vector<16xi32>, vector<16xi32>], vector<16xf32>,
        %get3A_207 = arith.index_cast %add3A_143 : i32 to index
        %get3A_208 = arith.constant 112 : index
        %get3A_209 = tpu.vector_load %arg10[%get3A_207, %get3A_208] {strides = array<i32>} : memref<80x128xi32, #tpu.memory_space<vmem>>, vector<16xi32>,
        %shift_right_logical3A_210 = arith.constant 7 : i32
        %shift_right_logical3A_211 = vector.broadcast %shift_right_logical3A_210 : i32 to vector<16xi32>
        %shift_right_logical3A_212 = arith.shrui %get3A_209, %shift_right_logical3A_211 : vector<16xi32>
        %and3A_213 = arith.constant 127 : i32
        %and3A_214 = vector.broadcast %and3A_213 : i32 to vector<16xi32>
        %and3A_215 = arith.andi %get3A_209, %and3A_214 : vector<16xi32>
        tpu.vector_store_idx %arg13[%shift_right_logical3A_212, %and3A_215], %broadcast_in_dim3A_31 {add = true} : memref<80x128xf32, #tpu.memory_space<vmem>>[vector<16xi32>, vector<16xi32>], vector<16xf32>,
        %dma_wait3A = arith.constant 0 : i32
        %dma_wait3A_216 = tpu.memref_slice %arg9[%mul3A_59, %dma_wait3A] : memref<80x128xi32, #tpu.memory_space<vmem>> -> memref<1x128xi32, #tpu.memory_space<vmem>>
        %dma_wait3A_217 = tpu.memref_squeeze %dma_wait3A_216 : memref<1x128xi32, #tpu.memory_space<vmem>> -> memref<128xi32, #tpu.memory_space<vmem>>
        %dma_wait3A_218 = arith.constant 0 : i32
        %dma_wait3A_219 = arith.constant 0 : i32
        %dma_wait3A_220 = tpu.memref_slice %arg15[%dma_wait3A_218, %dma_wait3A_219] : memref<10048x64xf32, #tpu.memory_space<vmem_shared>> -> memref<10048x64xf32, #tpu.memory_space<vmem_shared>>
        tpu.wait_indirect_dma semaphore(%arg18 : memref<!tpu.dma_semaphore, #tpu.memory_space<semaphore_mem>>) src(%dma_wait3A_220 : memref<10048x64xf32, #tpu.memory_space<vmem_shared>>) dst(%arg11 : memref<128x64xf32, #tpu.memory_space<vmem>>)
        %dma_start3A_221 = arith.constant 0 : i32
        %dma_start3A_222 = tpu.memref_slice %arg10[%mul3A_59, %dma_start3A_221] : memref<80x128xi32, #tpu.memory_space<vmem>> -> memref<1x128xi32, #tpu.memory_space<vmem>>
        %dma_start3A_223 = tpu.memref_squeeze %dma_start3A_222 : memref<1x128xi32, #tpu.memory_space<vmem>> -> memref<128xi32, #tpu.memory_space<vmem>>
        %dma_start3A_224 = arith.constant 0 : i32
        %dma_start3A_225 = arith.constant 0 : i32
        %dma_start3A_226 = tpu.memref_slice %arg16[%dma_start3A_224, %dma_start3A_225] : memref<10240x64xf32, #tpu.memory_space<vmem_shared>> -> memref<10240x64xf32, #tpu.memory_space<vmem_shared>>
        tpu.enqueue_indirect_dma source(%arg11 : memref<128x64xf32, #tpu.memory_space<vmem>>) target(%dma_start3A_226 : memref<10240x64xf32, #tpu.memory_space<vmem_shared>>) offsets(%dma_start3A_223 : memref<128xi32, #tpu.memory_space<vmem>>) semaphore(%arg20 : memref<!tpu.dma_semaphore, #tpu.memory_space<semaphore_mem>>) {add = true}
        %dma_wait3A_227 = arith.constant 0 : i32
        %dma_wait3A_228 = tpu.memref_slice %arg9[%add3A_66, %dma_wait3A_227] : memref<80x128xi32, #tpu.memory_space<vmem>> -> memref<1x128xi32, #tpu.memory_space<vmem>>
        %dma_wait3A_229 = tpu.memref_squeeze %dma_wait3A_228 : memref<1x128xi32, #tpu.memory_space<vmem>> -> memref<128xi32, #tpu.memory_space<vmem>>
        %dma_wait3A_230 = arith.constant 0 : i32
        %dma_wait3A_231 = arith.constant 0 : i32
        %dma_wait3A_232 = tpu.memref_slice %arg15[%dma_wait3A_230, %dma_wait3A_231] : memref<10048x64xf32, #tpu.memory_space<vmem_shared>> -> memref<10048x64xf32, #tpu.memory_space<vmem_shared>>
        tpu.wait_indirect_dma semaphore(%arg19 : memref<!tpu.dma_semaphore, #tpu.memory_space<semaphore_mem>>) src(%dma_wait3A_232 : memref<10048x64xf32, #tpu.memory_space<vmem_shared>>) dst(%arg12 : memref<128x64xf32, #tpu.memory_space<vmem>>)
        %add3A_233 = arith.constant 1 : i32
        %add3A_234 = arith.addi %mul3A_59, %add3A_233 : i32
        %dma_start3A_235 = arith.constant 0 : i32
        %dma_start3A_236 = tpu.memref_slice %arg10[%add3A_234, %dma_start3A_235] : memref<80x128xi32, #tpu.memory_space<vmem>> -> memref<1x128xi32, #tpu.memory_space<vmem>>
        %dma_start3A_237 = tpu.memref_squeeze %dma_start3A_236 : memref<1x128xi32, #tpu.memory_space<vmem>> -> memref<128xi32, #tpu.memory_space<vmem>>
        %dma_start3A_238 = arith.constant 0 : i32
        %dma_start3A_239 = arith.constant 0 : i32
        %dma_start3A_240 = tpu.memref_slice %arg16[%dma_start3A_238, %dma_start3A_239] : memref<10240x64xf32, #tpu.memory_space<vmem_shared>> -> memref<10240x64xf32, #tpu.memory_space<vmem_shared>>
        tpu.enqueue_indirect_dma source(%arg12 : memref<128x64xf32, #tpu.memory_space<vmem>>) target(%dma_start3A_240 : memref<10240x64xf32, #tpu.memory_space<vmem_shared>>) offsets(%dma_start3A_237 : memref<128xi32, #tpu.memory_space<vmem>>) semaphore(%arg21 : memref<!tpu.dma_semaphore, #tpu.memory_space<semaphore_mem>>) {add = true}
        %dma_wait3A_241 = arith.constant 0 : i32
        %dma_wait3A_242 = tpu.memref_slice %arg10[%mul3A_59, %dma_wait3A_241] : memref<80x128xi32, #tpu.memory_space<vmem>> -> memref<1x128xi32, #tpu.memory_space<vmem>>
        %dma_wait3A_243 = tpu.memref_squeeze %dma_wait3A_242 : memref<1x128xi32, #tpu.memory_space<vmem>> -> memref<128xi32, #tpu.memory_space<vmem>>
        %dma_wait3A_244 = arith.constant 0 : i32
        %dma_wait3A_245 = arith.constant 0 : i32
        %dma_wait3A_246 = tpu.memref_slice %arg16[%dma_wait3A_244, %dma_wait3A_245] : memref<10240x64xf32, #tpu.memory_space<vmem_shared>> -> memref<10240x64xf32, #tpu.memory_space<vmem_shared>>
        tpu.wait_indirect_dma semaphore(%arg20 : memref<!tpu.dma_semaphore, #tpu.memory_space<semaphore_mem>>) src(%arg11 : memref<128x64xf32, #tpu.memory_space<vmem>>) dst(%dma_wait3A_246 : memref<10240x64xf32, #tpu.memory_space<vmem_shared>>)
        %dma_wait3A_247 = arith.constant 0 : i32
        %dma_wait3A_248 = tpu.memref_slice %arg10[%add3A_234, %dma_wait3A_247] : memref<80x128xi32, #tpu.memory_space<vmem>> -> memref<1x128xi32, #tpu.memory_space<vmem>>
        %dma_wait3A_249 = tpu.memref_squeeze %dma_wait3A_248 : memref<1x128xi32, #tpu.memory_space<vmem>> -> memref<128xi32, #tpu.memory_space<vmem>>
        %dma_wait3A_250 = arith.constant 0 : i32
        %dma_wait3A_251 = arith.constant 0 : i32
        %dma_wait3A_252 = tpu.memref_slice %arg16[%dma_wait3A_250, %dma_wait3A_251] : memref<10240x64xf32, #tpu.memory_space<vmem_shared>> -> memref<10240x64xf32, #tpu.memory_space<vmem_shared>>
        tpu.wait_indirect_dma semaphore(%arg21 : memref<!tpu.dma_semaphore, #tpu.memory_space<semaphore_mem>>) src(%arg12 : memref<128x64xf32, #tpu.memory_space<vmem>>) dst(%dma_wait3A_252 : memref<10240x64xf32, #tpu.memory_space<vmem_shared>>)
      }
      %scan3A_56 = arith.constant 40 : i32
    }
    %scan3A_37 = arith.constant 2 : i32
    "tpu.region"() ({
      %run_scoped3A = tpu.sem_alloc : memref<!tpu.dma_semaphore, #tpu.memory_space<semaphore_mem>>
      %dma_start3A = arith.constant 0 : i32
      %dma_start3A_46 = arith.constant 0 : i32
      %dma_start3A_47 = tpu.memref_slice %arg17[%dma_start3A, %dma_start3A_46] : memref<80x128xf32, #tpu.memory_space<vmem_shared>> -> memref<80x128xf32, #tpu.memory_space<vmem_shared>>
      tpu.enqueue_indirect_dma source(%arg13 : memref<80x128xf32, #tpu.memory_space<vmem>>) target(%dma_start3A_47 : memref<80x128xf32, #tpu.memory_space<vmem_shared>>) offsets(%arg14 : memref<80xi32, #tpu.memory_space<vmem>>) semaphore(%run_scoped3A : memref<!tpu.dma_semaphore, #tpu.memory_space<semaphore_mem>>) {add = true}
      %dma_wait3A = arith.constant 0 : i32
      %dma_wait3A_48 = arith.constant 0 : i32
      %dma_wait3A_49 = tpu.memref_slice %arg17[%dma_wait3A, %dma_wait3A_48] : memref<80x128xf32, #tpu.memory_space<vmem_shared>> -> memref<80x128xf32, #tpu.memory_space<vmem_shared>>
      tpu.wait_indirect_dma semaphore(%run_scoped3A : memref<!tpu.dma_semaphore, #tpu.memory_space<semaphore_mem>>) src(%arg13 : memref<80x128xf32, #tpu.memory_space<vmem>>) dst(%dma_wait3A_49 : memref<80x128xf32, #tpu.memory_space<vmem_shared>>)
      tpu.yield
    }) : () -> ()
    %barrier3A_38 = arith.constant 0 : index
    tpu.barrier barrier_id(%barrier3A_38)
    %mul3A_39 = arith.constant 64 : i32
    %mul3A_40 = arith.muli %arg0, %mul3A_39 : i32
    "tpu.region"() ({
      %run_scoped3A = tpu.sem_alloc : memref<!tpu.dma_semaphore, #tpu.memory_space<semaphore_mem>>
      %dma_start3A = tpu.memref_slice %arg7[%mul3A_0, %mul3A_40] : memref<10240x128xf32, #tpu.memory_space<hbm>> -> memref<640x64xf32, #tpu.memory_space<hbm>>
      %dma_start3A_46 = arith.constant 0 : i32
      %dma_start3A_47 = tpu.memref_slice %arg16[%mul3A_0, %dma_start3A_46] : memref<10240x64xf32, #tpu.memory_space<vmem_shared>> -> memref<640x64xf32, #tpu.memory_space<vmem_shared>>
      tpu.enqueue_dma source(%dma_start3A_47 : memref<640x64xf32, #tpu.memory_space<vmem_shared>>) target(%dma_start3A : memref<640x64xf32, #tpu.memory_space<hbm>>) target_semaphore(%run_scoped3A : memref<!tpu.dma_semaphore, #tpu.memory_space<semaphore_mem>>)
      %dma_wait3A = tpu.memref_slice %arg7[%mul3A_0, %mul3A_40] : memref<10240x128xf32, #tpu.memory_space<hbm>> -> memref<640x64xf32, #tpu.memory_space<hbm>>
      %dma_wait3A_48 = arith.constant 0 : i32
      %dma_wait3A_49 = tpu.memref_slice %arg16[%mul3A_0, %dma_wait3A_48] : memref<10240x64xf32, #tpu.memory_space<vmem_shared>> -> memref<640x64xf32, #tpu.memory_space<vmem_shared>>
      tpu.wait_dma2 semaphore(%run_scoped3A : memref<!tpu.dma_semaphore, #tpu.memory_space<semaphore_mem>>) src(%dma_wait3A_49 : memref<640x64xf32, #tpu.memory_space<vmem_shared>>) dst(%dma_wait3A : memref<640x64xf32, #tpu.memory_space<hbm>>)
      tpu.yield
    }) : () -> ()
    %eq3A_41 = arith.constant 0 : i32
    %eq3A_42 = arith.cmpi eq, %arg1, %eq3A_41 : i32
    %convert_element_type3A_43 = arith.extui %eq3A_42 : i1 to i32
    %cond3A_44 = arith.constant 0 : i32
    %cond3A_45 = arith.cmpi ne, %convert_element_type3A_43, %cond3A_44 : i32
    scf.if %cond3A_45 {
      "tpu.region"() ({
        %run_scoped3A = tpu.sem_alloc : memref<!tpu.dma_semaphore, #tpu.memory_space<semaphore_mem>>
        %dma_start3A = arith.constant 0 : i32
        %dma_start3A_46 = arith.constant 0 : i32
        %dma_start3A_47 = tpu.memref_slice %arg8[%arg0, %dma_start3A, %dma_start3A_46] : memref<2x80x128xf32, #tpu.memory_space<hbm>> -> memref<1x80x128xf32, #tpu.memory_space<hbm>>
        %dma_start3A_48 = tpu.memref_squeeze %dma_start3A_47 : memref<1x80x128xf32, #tpu.memory_space<hbm>> -> memref<80x128xf32, #tpu.memory_space<hbm>>
        tpu.enqueue_dma source(%arg17 : memref<80x128xf32, #tpu.memory_space<vmem_shared>>) target(%dma_start3A_48 : memref<80x128xf32, #tpu.memory_space<hbm>>) target_semaphore(%run_scoped3A : memref<!tpu.dma_semaphore, #tpu.memory_space<semaphore_mem>>)
        %dma_wait3A = arith.constant 0 : i32
        %dma_wait3A_49 = arith.constant 0 : i32
        %dma_wait3A_50 = tpu.memref_slice %arg8[%arg0, %dma_wait3A, %dma_wait3A_49] : memref<2x80x128xf32, #tpu.memory_space<hbm>> -> memref<1x80x128xf32, #tpu.memory_space<hbm>>
        %dma_wait3A_51 = tpu.memref_squeeze %dma_wait3A_50 : memref<1x80x128xf32, #tpu.memory_space<hbm>> -> memref<80x128xf32, #tpu.memory_space<hbm>>
        tpu.wait_dma2 semaphore(%run_scoped3A : memref<!tpu.dma_semaphore, #tpu.memory_space<semaphore_mem>>) src(%arg17 : memref<80x128xf32, #tpu.memory_space<vmem_shared>>) dst(%dma_wait3A_51 : memref<80x128xf32, #tpu.memory_space<hbm>>)
        tpu.yield
      }) : () -> ()
    } else {
    }
    return
  }
}

#map = affine_map<(d0, d1) -> (0, 0)>
#map1 = affine_map<(d0, d1) -> (0, 0, 0)>
#map2 = affine_map<(d0, d1) -> (0)>
module attributes {stable_mosaic.version = 14 : i64} {
  func.func @_sc_body(%arg0: i32, %arg1: i32, %arg2: memref<10000x128xf32, #tpu.memory_space<hbm>>, %arg3: memref<16x160x128xi32, #tpu.memory_space<hbm>>, %arg4: memref<16x160x128xi32, #tpu.memory_space<hbm>>, %arg5: memref<80x128xf32, #tpu.memory_space<hbm>>, %arg6: memref<80xi32, #tpu.memory_space<hbm>>, %arg7: memref<10240x128xf32, #tpu.memory_space<hbm>>, %arg8: memref<2x80x128xf32, #tpu.memory_space<hbm>>, %arg9: memref<80x128xi32, #tpu.memory_space<vmem>>, %arg10: memref<80x128xi32, #tpu.memory_space<vmem>>, %arg11: memref<128x64xf32, #tpu.memory_space<vmem>>, %arg12: memref<128x64xf32, #tpu.memory_space<vmem>>, %arg13: memref<80x128xf32, #tpu.memory_space<vmem>>, %arg14: memref<80xi32, #tpu.memory_space<vmem>>, %arg15: memref<10048x64xf32, #tpu.memory_space<vmem_shared>>, %arg16: memref<10240x64xf32, #tpu.memory_space<vmem_shared>>, %arg17: memref<80x128xf32, #tpu.memory_space<vmem_shared>>, %arg18: memref<!tpu.dma_semaphore, #tpu.memory_space<semaphore_mem>>, %arg19: memref<!tpu.dma_semaphore, #tpu.memory_space<semaphore_mem>>, %arg20: memref<!tpu.dma_semaphore, #tpu.memory_space<semaphore_mem>>, %arg21: memref<!tpu.dma_semaphore, #tpu.memory_space<semaphore_mem>>) attributes {dimension_semantics = [#tpu.dimension_semantics<core_parallel>, #tpu.dimension_semantics<subcore_parallel>], iteration_bounds = array<i64: 2, 16>, scalar_prefetch = 0 : i64, scratch_operands = 13 : i64, tpu.core_type = #tpu.core_type<sc_vector_subcore>, window_params = [{transform_indices = #map}, {transform_indices = #map1}, {transform_indices = #map1}, {transform_indices = #map}, {transform_indices = #map2}, {transform_indices = #map}, {transform_indices = #map1}]} {
    %mul3A = arith.constant 640 : i32
    %mul3A_0 = arith.muli %arg1, %mul3A : i32
    %mul3A_1 = arith.constant 625 : i32
    %mul3A_2 = arith.muli %arg1, %mul3A_1 : i32
    %mul3A_3 = arith.constant 64 : i32
    %mul3A_4 = arith.muli %arg0, %mul3A_3 : i32
    %mul3A_5 = arith.constant 625 : i32
    %mul3A_6 = arith.muli %arg1, %mul3A_5 : i32
    "tpu.region"() ({
      %run_scoped3A = tpu.sem_alloc : memref<!tpu.dma_semaphore, #tpu.memory_space<semaphore_mem>>
      %dma_start3A = arith.constant 0 : i32
      %dma_start3A_46 = tpu.memref_slice %arg15[%mul3A_6, %dma_start3A] : memref<10048x64xf32, #tpu.memory_space<vmem_shared>> -> memref<625x64xf32, #tpu.memory_space<vmem_shared>>
      %dma_start3A_47 = tpu.memref_slice %arg2[%mul3A_2, %mul3A_4] : memref<10000x128xf32, #tpu.memory_space<hbm>> -> memref<625x64xf32, #tpu.memory_space<hbm>>
      tpu.enqueue_dma source(%dma_start3A_47 : memref<625x64xf32, #tpu.memory_space<hbm>>) target(%dma_start3A_46 : memref<625x64xf32, #tpu.memory_space<vmem_shared>>) target_semaphore(%run_scoped3A : memref<!tpu.dma_semaphore, #tpu.memory_space<semaphore_mem>>)
      %dma_wait3A = arith.constant 0 : i32
      %dma_wait3A_48 = tpu.memref_slice %arg15[%mul3A_6, %dma_wait3A] : memref<10048x64xf32, #tpu.memory_space<vmem_shared>> -> memref<625x64xf32, #tpu.memory_space<vmem_shared>>
      %dma_wait3A_49 = tpu.memref_slice %arg2[%mul3A_2, %mul3A_4] : memref<10000x128xf32, #tpu.memory_space<hbm>> -> memref<625x64xf32, #tpu.memory_space<hbm>>
      tpu.wait_dma2 semaphore(%run_scoped3A : memref<!tpu.dma_semaphore, #tpu.memory_space<semaphore_mem>>) src(%dma_wait3A_49 : memref<625x64xf32, #tpu.memory_space<hbm>>) dst(%dma_wait3A_48 : memref<625x64xf32, #tpu.memory_space<vmem_shared>>)
      tpu.yield
    }) : () -> ()
    "tpu.region"() ({
      %run_scoped3A = tpu.sem_alloc : memref<!tpu.dma_semaphore, #tpu.memory_space<semaphore_mem>>
      tpu.enqueue_dma source(%arg6 : memref<80xi32, #tpu.memory_space<hbm>>) target(%arg14 : memref<80xi32, #tpu.memory_space<vmem>>) target_semaphore(%run_scoped3A : memref<!tpu.dma_semaphore, #tpu.memory_space<semaphore_mem>>)
      tpu.wait_dma2 semaphore(%run_scoped3A : memref<!tpu.dma_semaphore, #tpu.memory_space<semaphore_mem>>) src(%arg6 : memref<80xi32, #tpu.memory_space<hbm>>) dst(%arg14 : memref<80xi32, #tpu.memory_space<vmem>>)
      tpu.yield
    }) : () -> ()
    %eq3A = arith.constant 0 : i32
    %eq3A_7 = arith.cmpi eq, %arg1, %eq3A : i32
    %convert_element_type3A = arith.extui %eq3A_7 : i1 to i32
    %cond3A = arith.constant 0 : i32
    %cond3A_8 = arith.cmpi ne, %convert_element_type3A, %cond3A : i32
    scf.if %cond3A_8 {
      "tpu.region"() ({
        %run_scoped3A = tpu.sem_alloc : memref<!tpu.dma_semaphore, #tpu.memory_space<semaphore_mem>>
        tpu.enqueue_dma source(%arg5 : memref<80x128xf32, #tpu.memory_space<hbm>>) target(%arg17 : memref<80x128xf32, #tpu.memory_space<vmem_shared>>) target_semaphore(%run_scoped3A : memref<!tpu.dma_semaphore, #tpu.memory_space<semaphore_mem>>)
        tpu.wait_dma2 semaphore(%run_scoped3A : memref<!tpu.dma_semaphore, #tpu.memory_space<semaphore_mem>>) src(%arg5 : memref<80x128xf32, #tpu.memory_space<hbm>>) dst(%arg17 : memref<80x128xf32, #tpu.memory_space<vmem_shared>>)
        tpu.yield
      }) : () -> ()
    } else {
    }
    %broadcast_in_dim3A = arith.constant 0.000000e+00 : f32
    %broadcast_in_dim3A_9 = vector.broadcast %broadcast_in_dim3A : f32 to vector<16xf32>
    %scan3A = arith.constant 0 : i32
    %scan3A_10 = arith.constant 0 : i32
    %scan3A_11 = arith.constant 128 : i32
    %scan3A_12 = arith.addi %scan3A_10, %scan3A_11 : i32
    %scan3A_13 = arith.constant 1 : i32
    scf.for %scan3A_46 = %scan3A_10 to %scan3A_12 step %scan3A_13  : i32 {
      %swap3A = arith.index_cast %scan3A_46 : i32 to index
      %swap3A_47 = arith.constant 0 : index
      %swap3A_48 = tpu.vector_load %arg11[%swap3A, %swap3A_47] {strides = array<i32>} : memref<128x64xf32, #tpu.memory_space<vmem>>, vector<16xf32>,
      tpu.vector_store %arg11[%swap3A, %swap3A_47], %broadcast_in_dim3A_9 {strides = array<i32>} : memref<128x64xf32, #tpu.memory_space<vmem>>, vector<16xf32>,
      %swap3A_49 = arith.index_cast %scan3A_46 : i32 to index
      %swap3A_50 = arith.constant 16 : index
      %swap3A_51 = tpu.vector_load %arg11[%swap3A_49, %swap3A_50] {strides = array<i32>} : memref<128x64xf32, #tpu.memory_space<vmem>>, vector<16xf32>,
      tpu.vector_store %arg11[%swap3A_49, %swap3A_50], %broadcast_in_dim3A_9 {strides = array<i32>} : memref<128x64xf32, #tpu.memory_space<vmem>>, vector<16xf32>,
      %swap3A_52 = arith.index_cast %scan3A_46 : i32 to index
      %swap3A_53 = arith.constant 32 : index
      %swap3A_54 = tpu.vector_load %arg11[%swap3A_52, %swap3A_53] {strides = array<i32>} : memref<128x64xf32, #tpu.memory_space<vmem>>, vector<16xf32>,
      tpu.vector_store %arg11[%swap3A_52, %swap3A_53], %broadcast_in_dim3A_9 {strides = array<i32>} : memref<128x64xf32, #tpu.memory_space<vmem>>, vector<16xf32>,
      %swap3A_55 = arith.index_cast %scan3A_46 : i32 to index
      %swap3A_56 = arith.constant 48 : index
      %swap3A_57 = tpu.vector_load %arg11[%swap3A_55, %swap3A_56] {strides = array<i32>} : memref<128x64xf32, #tpu.memory_space<vmem>>, vector<16xf32>,
      tpu.vector_store %arg11[%swap3A_55, %swap3A_56], %broadcast_in_dim3A_9 {strides = array<i32>} : memref<128x64xf32, #tpu.memory_space<vmem>>, vector<16xf32>,
    }
    %scan3A_14 = arith.constant 128 : i32
    %scan3A_15 = arith.constant 0 : i32
    %scan3A_16 = arith.constant 0 : i32
    %scan3A_17 = arith.constant 80 : i32
    %scan3A_18 = arith.addi %scan3A_16, %scan3A_17 : i32
    %scan3A_19 = arith.constant 1 : i32
    scf.for %scan3A_46 = %scan3A_16 to %scan3A_18 step %scan3A_19  : i32 {
      %swap3A = arith.index_cast %scan3A_46 : i32 to index
      %swap3A_47 = arith.constant 0 : index
      %swap3A_48 = tpu.vector_load %arg13[%swap3A, %swap3A_47] {strides = array<i32>} : memref<80x128xf32, #tpu.memory_space<vmem>>, vector<16xf32>,
      tpu.vector_store %arg13[%swap3A, %swap3A_47], %broadcast_in_dim3A_9 {strides = array<i32>} : memref<80x128xf32, #tpu.memory_space<vmem>>, vector<16xf32>,
      %swap3A_49 = arith.index_cast %scan3A_46 : i32 to index
      %swap3A_50 = arith.constant 16 : index
      %swap3A_51 = tpu.vector_load %arg13[%swap3A_49, %swap3A_50] {strides = array<i32>} : memref<80x128xf32, #tpu.memory_space<vmem>>, vector<16xf32>,
      tpu.vector_store %arg13[%swap3A_49, %swap3A_50], %broadcast_in_dim3A_9 {strides = array<i32>} : memref<80x128xf32, #tpu.memory_space<vmem>>, vector<16xf32>,
      %swap3A_52 = arith.index_cast %scan3A_46 : i32 to index
      %swap3A_53 = arith.constant 32 : index
      %swap3A_54 = tpu.vector_load %arg13[%swap3A_52, %swap3A_53] {strides = array<i32>} : memref<80x128xf32, #tpu.memory_space<vmem>>, vector<16xf32>,
      tpu.vector_store %arg13[%swap3A_52, %swap3A_53], %broadcast_in_dim3A_9 {strides = array<i32>} : memref<80x128xf32, #tpu.memory_space<vmem>>, vector<16xf32>,
      %swap3A_55 = arith.index_cast %scan3A_46 : i32 to index
      %swap3A_56 = arith.constant 48 : index
      %swap3A_57 = tpu.vector_load %arg13[%swap3A_55, %swap3A_56] {strides = array<i32>} : memref<80x128xf32, #tpu.memory_space<vmem>>, vector<16xf32>,
      tpu.vector_store %arg13[%swap3A_55, %swap3A_56], %broadcast_in_dim3A_9 {strides = array<i32>} : memref<80x128xf32, #tpu.memory_space<vmem>>, vector<16xf32>,
      %swap3A_58 = arith.index_cast %scan3A_46 : i32 to index
      %swap3A_59 = arith.constant 64 : index
      %swap3A_60 = tpu.vector_load %arg13[%swap3A_58, %swap3A_59] {strides = array<i32>} : memref<80x128xf32, #tpu.memory_space<vmem>>, vector<16xf32>,
      tpu.vector_store %arg13[%swap3A_58, %swap3A_59], %broadcast_in_dim3A_9 {strides = array<i32>} : memref<80x128xf32, #tpu.memory_space<vmem>>, vector<16xf32>,
      %swap3A_61 = arith.index_cast %scan3A_46 : i32 to index
      %swap3A_62 = arith.constant 80 : index
      %swap3A_63 = tpu.vector_load %arg13[%swap3A_61, %swap3A_62] {strides = array<i32>} : memref<80x128xf32, #tpu.memory_space<vmem>>, vector<16xf32>,
      tpu.vector_store %arg13[%swap3A_61, %swap3A_62], %broadcast_in_dim3A_9 {strides = array<i32>} : memref<80x128xf32, #tpu.memory_space<vmem>>, vector<16xf32>,
      %swap3A_64 = arith.index_cast %scan3A_46 : i32 to index
      %swap3A_65 = arith.constant 96 : index
      %swap3A_66 = tpu.vector_load %arg13[%swap3A_64, %swap3A_65] {strides = array<i32>} : memref<80x128xf32, #tpu.memory_space<vmem>>, vector<16xf32>,
      tpu.vector_store %arg13[%swap3A_64, %swap3A_65], %broadcast_in_dim3A_9 {strides = array<i32>} : memref<80x128xf32, #tpu.memory_space<vmem>>, vector<16xf32>,
      %swap3A_67 = arith.index_cast %scan3A_46 : i32 to index
      %swap3A_68 = arith.constant 112 : index
      %swap3A_69 = tpu.vector_load %arg13[%swap3A_67, %swap3A_68] {strides = array<i32>} : memref<80x128xf32, #tpu.memory_space<vmem>>, vector<16xf32>,
      tpu.vector_store %arg13[%swap3A_67, %swap3A_68], %broadcast_in_dim3A_9 {strides = array<i32>} : memref<80x128xf32, #tpu.memory_space<vmem>>, vector<16xf32>,
    }
    %scan3A_20 = arith.constant 80 : i32
    %add3A = arith.constant 0 : i32
    %add3A_21 = arith.addi %mul3A_0, %add3A : i32
    "tpu.region"() ({
      %run_scoped3A = tpu.sem_alloc : memref<!tpu.dma_semaphore, #tpu.memory_space<semaphore_mem>>
      %dma_start3A = arith.constant 0 : i32
      %dma_start3A_46 = tpu.memref_slice %arg16[%add3A_21, %dma_start3A] : memref<10240x64xf32, #tpu.memory_space<vmem_shared>> -> memref<128x64xf32, #tpu.memory_space<vmem_shared>>
      %dma_start3A_47 = arith.constant 0 : i32
      %dma_start3A_48 = tpu.memref_slice %arg16[%add3A_21, %dma_start3A_47] : memref<10240x64xf32, #tpu.memory_space<vmem_shared>> -> memref<128x64xf32, #tpu.memory_space<vmem_shared>>
      tpu.enqueue_dma source(%arg11 : memref<128x64xf32, #tpu.memory_space<vmem>>) target(%dma_start3A_48 : memref<128x64xf32, #tpu.memory_space<vmem_shared>>) target_semaphore(%run_scoped3A : memref<!tpu.dma_semaphore, #tpu.memory_space<semaphore_mem>>)
      %dma_wait3A = arith.constant 0 : i32
      %dma_wait3A_49 = tpu.memref_slice %arg16[%add3A_21, %dma_wait3A] : memref<10240x64xf32, #tpu.memory_space<vmem_shared>> -> memref<128x64xf32, #tpu.memory_space<vmem_shared>>
      %dma_wait3A_50 = arith.constant 0 : i32
      %dma_wait3A_51 = tpu.memref_slice %arg16[%add3A_21, %dma_wait3A_50] : memref<10240x64xf32, #tpu.memory_space<vmem_shared>> -> memref<128x64xf32, #tpu.memory_space<vmem_shared>>
      tpu.wait_dma2 semaphore(%run_scoped3A : memref<!tpu.dma_semaphore, #tpu.memory_space<semaphore_mem>>) src(%arg11 : memref<128x64xf32, #tpu.memory_space<vmem>>) dst(%dma_wait3A_51 : memref<128x64xf32, #tpu.memory_space<vmem_shared>>)
      tpu.yield
    }) : () -> ()
    %add3A_22 = arith.constant 128 : i32
    %add3A_23 = arith.addi %mul3A_0, %add3A_22 : i32
    "tpu.region"() ({
      %run_scoped3A = tpu.sem_alloc : memref<!tpu.dma_semaphore, #tpu.memory_space<semaphore_mem>>
      %dma_start3A = arith.constant 0 : i32
      %dma_start3A_46 = tpu.memref_slice %arg16[%add3A_23, %dma_start3A] : memref<10240x64xf32, #tpu.memory_space<vmem_shared>> -> memref<128x64xf32, #tpu.memory_space<vmem_shared>>
      %dma_start3A_47 = arith.constant 0 : i32
      %dma_start3A_48 = tpu.memref_slice %arg16[%add3A_23, %dma_start3A_47] : memref<10240x64xf32, #tpu.memory_space<vmem_shared>> -> memref<128x64xf32, #tpu.memory_space<vmem_shared>>
      tpu.enqueue_dma source(%arg11 : memref<128x64xf32, #tpu.memory_space<vmem>>) target(%dma_start3A_48 : memref<128x64xf32, #tpu.memory_space<vmem_shared>>) target_semaphore(%run_scoped3A : memref<!tpu.dma_semaphore, #tpu.memory_space<semaphore_mem>>)
      %dma_wait3A = arith.constant 0 : i32
      %dma_wait3A_49 = tpu.memref_slice %arg16[%add3A_23, %dma_wait3A] : memref<10240x64xf32, #tpu.memory_space<vmem_shared>> -> memref<128x64xf32, #tpu.memory_space<vmem_shared>>
      %dma_wait3A_50 = arith.constant 0 : i32
      %dma_wait3A_51 = tpu.memref_slice %arg16[%add3A_23, %dma_wait3A_50] : memref<10240x64xf32, #tpu.memory_space<vmem_shared>> -> memref<128x64xf32, #tpu.memory_space<vmem_shared>>
      tpu.wait_dma2 semaphore(%run_scoped3A : memref<!tpu.dma_semaphore, #tpu.memory_space<semaphore_mem>>) src(%arg11 : memref<128x64xf32, #tpu.memory_space<vmem>>) dst(%dma_wait3A_51 : memref<128x64xf32, #tpu.memory_space<vmem_shared>>)
      tpu.yield
    }) : () -> ()
    %add3A_24 = arith.constant 256 : i32
    %add3A_25 = arith.addi %mul3A_0, %add3A_24 : i32
    "tpu.region"() ({
      %run_scoped3A = tpu.sem_alloc : memref<!tpu.dma_semaphore, #tpu.memory_space<semaphore_mem>>
      %dma_start3A = arith.constant 0 : i32
      %dma_start3A_46 = tpu.memref_slice %arg16[%add3A_25, %dma_start3A] : memref<10240x64xf32, #tpu.memory_space<vmem_shared>> -> memref<128x64xf32, #tpu.memory_space<vmem_shared>>
      %dma_start3A_47 = arith.constant 0 : i32
      %dma_start3A_48 = tpu.memref_slice %arg16[%add3A_25, %dma_start3A_47] : memref<10240x64xf32, #tpu.memory_space<vmem_shared>> -> memref<128x64xf32, #tpu.memory_space<vmem_shared>>
      tpu.enqueue_dma source(%arg11 : memref<128x64xf32, #tpu.memory_space<vmem>>) target(%dma_start3A_48 : memref<128x64xf32, #tpu.memory_space<vmem_shared>>) target_semaphore(%run_scoped3A : memref<!tpu.dma_semaphore, #tpu.memory_space<semaphore_mem>>)
      %dma_wait3A = arith.constant 0 : i32
      %dma_wait3A_49 = tpu.memref_slice %arg16[%add3A_25, %dma_wait3A] : memref<10240x64xf32, #tpu.memory_space<vmem_shared>> -> memref<128x64xf32, #tpu.memory_space<vmem_shared>>
      %dma_wait3A_50 = arith.constant 0 : i32
      %dma_wait3A_51 = tpu.memref_slice %arg16[%add3A_25, %dma_wait3A_50] : memref<10240x64xf32, #tpu.memory_space<vmem_shared>> -> memref<128x64xf32, #tpu.memory_space<vmem_shared>>
      tpu.wait_dma2 semaphore(%run_scoped3A : memref<!tpu.dma_semaphore, #tpu.memory_space<semaphore_mem>>) src(%arg11 : memref<128x64xf32, #tpu.memory_space<vmem>>) dst(%dma_wait3A_51 : memref<128x64xf32, #tpu.memory_space<vmem_shared>>)
      tpu.yield
    }) : () -> ()
    %add3A_26 = arith.constant 384 : i32
    %add3A_27 = arith.addi %mul3A_0, %add3A_26 : i32
    "tpu.region"() ({
      %run_scoped3A = tpu.sem_alloc : memref<!tpu.dma_semaphore, #tpu.memory_space<semaphore_mem>>
      %dma_start3A = arith.constant 0 : i32
      %dma_start3A_46 = tpu.memref_slice %arg16[%add3A_27, %dma_start3A] : memref<10240x64xf32, #tpu.memory_space<vmem_shared>> -> memref<128x64xf32, #tpu.memory_space<vmem_shared>>
      %dma_start3A_47 = arith.constant 0 : i32
      %dma_start3A_48 = tpu.memref_slice %arg16[%add3A_27, %dma_start3A_47] : memref<10240x64xf32, #tpu.memory_space<vmem_shared>> -> memref<128x64xf32, #tpu.memory_space<vmem_shared>>
      tpu.enqueue_dma source(%arg11 : memref<128x64xf32, #tpu.memory_space<vmem>>) target(%dma_start3A_48 : memref<128x64xf32, #tpu.memory_space<vmem_shared>>) target_semaphore(%run_scoped3A : memref<!tpu.dma_semaphore, #tpu.memory_space<semaphore_mem>>)
      %dma_wait3A = arith.constant 0 : i32
      %dma_wait3A_49 = tpu.memref_slice %arg16[%add3A_27, %dma_wait3A] : memref<10240x64xf32, #tpu.memory_space<vmem_shared>> -> memref<128x64xf32, #tpu.memory_space<vmem_shared>>
      %dma_wait3A_50 = arith.constant 0 : i32
      %dma_wait3A_51 = tpu.memref_slice %arg16[%add3A_27, %dma_wait3A_50] : memref<10240x64xf32, #tpu.memory_space<vmem_shared>> -> memref<128x64xf32, #tpu.memory_space<vmem_shared>>
      tpu.wait_dma2 semaphore(%run_scoped3A : memref<!tpu.dma_semaphore, #tpu.memory_space<semaphore_mem>>) src(%arg11 : memref<128x64xf32, #tpu.memory_space<vmem>>) dst(%dma_wait3A_51 : memref<128x64xf32, #tpu.memory_space<vmem_shared>>)
      tpu.yield
    }) : () -> ()
    %add3A_28 = arith.constant 512 : i32
    %add3A_29 = arith.addi %mul3A_0, %add3A_28 : i32
    "tpu.region"() ({
      %run_scoped3A = tpu.sem_alloc : memref<!tpu.dma_semaphore, #tpu.memory_space<semaphore_mem>>
      %dma_start3A = arith.constant 0 : i32
      %dma_start3A_46 = tpu.memref_slice %arg16[%add3A_29, %dma_start3A] : memref<10240x64xf32, #tpu.memory_space<vmem_shared>> -> memref<128x64xf32, #tpu.memory_space<vmem_shared>>
      %dma_start3A_47 = arith.constant 0 : i32
      %dma_start3A_48 = tpu.memref_slice %arg16[%add3A_29, %dma_start3A_47] : memref<10240x64xf32, #tpu.memory_space<vmem_shared>> -> memref<128x64xf32, #tpu.memory_space<vmem_shared>>
      tpu.enqueue_dma source(%arg11 : memref<128x64xf32, #tpu.memory_space<vmem>>) target(%dma_start3A_48 : memref<128x64xf32, #tpu.memory_space<vmem_shared>>) target_semaphore(%run_scoped3A : memref<!tpu.dma_semaphore, #tpu.memory_space<semaphore_mem>>)
      %dma_wait3A = arith.constant 0 : i32
      %dma_wait3A_49 = tpu.memref_slice %arg16[%add3A_29, %dma_wait3A] : memref<10240x64xf32, #tpu.memory_space<vmem_shared>> -> memref<128x64xf32, #tpu.memory_space<vmem_shared>>
      %dma_wait3A_50 = arith.constant 0 : i32
      %dma_wait3A_51 = tpu.memref_slice %arg16[%add3A_29, %dma_wait3A_50] : memref<10240x64xf32, #tpu.memory_space<vmem_shared>> -> memref<128x64xf32, #tpu.memory_space<vmem_shared>>
      tpu.wait_dma2 semaphore(%run_scoped3A : memref<!tpu.dma_semaphore, #tpu.memory_space<semaphore_mem>>) src(%arg11 : memref<128x64xf32, #tpu.memory_space<vmem>>) dst(%dma_wait3A_51 : memref<128x64xf32, #tpu.memory_space<vmem_shared>>)
      tpu.yield
    }) : () -> ()
    %barrier3A = arith.constant 0 : index
    tpu.barrier barrier_id(%barrier3A)
    %broadcast_in_dim3A_30 = arith.constant 1.000000e+00 : f32
    %broadcast_in_dim3A_31 = vector.broadcast %broadcast_in_dim3A_30 : f32 to vector<16xf32>
    %scan3A_32 = arith.constant 0 : i32
    %scan3A_33 = arith.constant 0 : i32
    %scan3A_34 = arith.constant 2 : i32
    %scan3A_35 = arith.addi %scan3A_33, %scan3A_34 : i32
    %scan3A_36 = arith.constant 1 : i32
    scf.for %scan3A_46 = %scan3A_33 to %scan3A_35 step %scan3A_36  : i32 {
      %mul3A_47 = arith.constant 80 : i32
      %mul3A_48 = arith.muli %scan3A_46, %mul3A_47 : i32
      "tpu.region"() ({
        %run_scoped3A = tpu.sem_alloc : memref<!tpu.dma_semaphore, #tpu.memory_space<semaphore_mem>>
        %dma_start3A = arith.constant 0 : i32
        %dma_start3A_57 = tpu.memref_slice %arg3[%arg1, %mul3A_48, %dma_start3A] : memref<16x160x128xi32, #tpu.memory_space<hbm>> -> memref<1x80x128xi32, #tpu.memory_space<hbm>>
        %dma_start3A_58 = tpu.memref_squeeze %dma_start3A_57 : memref<1x80x128xi32, #tpu.memory_space<hbm>> -> memref<80x128xi32, #tpu.memory_space<hbm>>
        %dma_start3A_59 = arith.constant 0 : i32
        %dma_start3A_60 = tpu.memref_slice %arg3[%arg1, %mul3A_48, %dma_start3A_59] : memref<16x160x128xi32, #tpu.memory_space<hbm>> -> memref<1x80x128xi32, #tpu.memory_space<hbm>>
        %dma_start3A_61 = tpu.memref_squeeze %dma_start3A_60 : memref<1x80x128xi32, #tpu.memory_space<hbm>> -> memref<80x128xi32, #tpu.memory_space<hbm>>
        tpu.enqueue_dma source(%dma_start3A_61 : memref<80x128xi32, #tpu.memory_space<hbm>>) target(%arg9 : memref<80x128xi32, #tpu.memory_space<vmem>>) target_semaphore(%run_scoped3A : memref<!tpu.dma_semaphore, #tpu.memory_space<semaphore_mem>>)
        %dma_wait3A = arith.constant 0 : i32
        %dma_wait3A_62 = tpu.memref_slice %arg3[%arg1, %mul3A_48, %dma_wait3A] : memref<16x160x128xi32, #tpu.memory_space<hbm>> -> memref<1x80x128xi32, #tpu.memory_space<hbm>>
        %dma_wait3A_63 = tpu.memref_squeeze %dma_wait3A_62 : memref<1x80x128xi32, #tpu.memory_space<hbm>> -> memref<80x128xi32, #tpu.memory_space<hbm>>
        %dma_wait3A_64 = arith.constant 0 : i32
        %dma_wait3A_65 = tpu.memref_slice %arg3[%arg1, %mul3A_48, %dma_wait3A_64] : memref<16x160x128xi32, #tpu.memory_space<hbm>> -> memref<1x80x128xi32, #tpu.memory_space<hbm>>
        %dma_wait3A_66 = tpu.memref_squeeze %dma_wait3A_65 : memref<1x80x128xi32, #tpu.memory_space<hbm>> -> memref<80x128xi32, #tpu.memory_space<hbm>>
        tpu.wait_dma2 semaphore(%run_scoped3A : memref<!tpu.dma_semaphore, #tpu.memory_space<semaphore_mem>>) src(%dma_wait3A_66 : memref<80x128xi32, #tpu.memory_space<hbm>>) dst(%arg9 : memref<80x128xi32, #tpu.memory_space<vmem>>)
        tpu.yield
      }) : () -> ()
      %mul3A_49 = arith.constant 80 : i32
      %mul3A_50 = arith.muli %scan3A_46, %mul3A_49 : i32
      "tpu.region"() ({
        %run_scoped3A = tpu.sem_alloc : memref<!tpu.dma_semaphore, #tpu.memory_space<semaphore_mem>>
        %dma_start3A = arith.constant 0 : i32
        %dma_start3A_57 = tpu.memref_slice %arg4[%arg1, %mul3A_50, %dma_start3A] : memref<16x160x128xi32, #tpu.memory_space<hbm>> -> memref<1x80x128xi32, #tpu.memory_space<hbm>>
        %dma_start3A_58 = tpu.memref_squeeze %dma_start3A_57 : memref<1x80x128xi32, #tpu.memory_space<hbm>> -> memref<80x128xi32, #tpu.memory_space<hbm>>
        %dma_start3A_59 = arith.constant 0 : i32
        %dma_start3A_60 = tpu.memref_slice %arg4[%arg1, %mul3A_50, %dma_start3A_59] : memref<16x160x128xi32, #tpu.memory_space<hbm>> -> memref<1x80x128xi32, #tpu.memory_space<hbm>>
        %dma_start3A_61 = tpu.memref_squeeze %dma_start3A_60 : memref<1x80x128xi32, #tpu.memory_space<hbm>> -> memref<80x128xi32, #tpu.memory_space<hbm>>
        tpu.enqueue_dma source(%dma_start3A_61 : memref<80x128xi32, #tpu.memory_space<hbm>>) target(%arg10 : memref<80x128xi32, #tpu.memory_space<vmem>>) target_semaphore(%run_scoped3A : memref<!tpu.dma_semaphore, #tpu.memory_space<semaphore_mem>>)
        %dma_wait3A = arith.constant 0 : i32
        %dma_wait3A_62 = tpu.memref_slice %arg4[%arg1, %mul3A_50, %dma_wait3A] : memref<16x160x128xi32, #tpu.memory_space<hbm>> -> memref<1x80x128xi32, #tpu.memory_space<hbm>>
        %dma_wait3A_63 = tpu.memref_squeeze %dma_wait3A_62 : memref<1x80x128xi32, #tpu.memory_space<hbm>> -> memref<80x128xi32, #tpu.memory_space<hbm>>
        %dma_wait3A_64 = arith.constant 0 : i32
        %dma_wait3A_65 = tpu.memref_slice %arg4[%arg1, %mul3A_50, %dma_wait3A_64] : memref<16x160x128xi32, #tpu.memory_space<hbm>> -> memref<1x80x128xi32, #tpu.memory_space<hbm>>
        %dma_wait3A_66 = tpu.memref_squeeze %dma_wait3A_65 : memref<1x80x128xi32, #tpu.memory_space<hbm>> -> memref<80x128xi32, #tpu.memory_space<hbm>>
        tpu.wait_dma2 semaphore(%run_scoped3A : memref<!tpu.dma_semaphore, #tpu.memory_space<semaphore_mem>>) src(%dma_wait3A_66 : memref<80x128xi32, #tpu.memory_space<hbm>>) dst(%arg10 : memref<80x128xi32, #tpu.memory_space<vmem>>)
        tpu.yield
      }) : () -> ()
      %scan3A_51 = arith.constant 0 : i32
      %scan3A_52 = arith.constant 0 : i32
      %scan3A_53 = arith.constant 40 : i32
      %scan3A_54 = arith.addi %scan3A_52, %scan3A_53 : i32
      %scan3A_55 = arith.constant 1 : i32
      scf.for %scan3A_57 = %scan3A_52 to %scan3A_54 step %scan3A_55  : i32 {
        %mul3A_58 = arith.constant 2 : i32
        %mul3A_59 = arith.muli %scan3A_57, %mul3A_58 : i32
        %dma_start3A = arith.constant 0 : i32
        %dma_start3A_60 = tpu.memref_slice %arg9[%mul3A_59, %dma_start3A] : memref<80x128xi32, #tpu.memory_space<vmem>> -> memref<1x128xi32, #tpu.memory_space<vmem>>
        %dma_start3A_61 = tpu.memref_squeeze %dma_start3A_60 : memref<1x128xi32, #tpu.memory_space<vmem>> -> memref<128xi32, #tpu.memory_space<vmem>>
        %dma_start3A_62 = arith.constant 0 : i32
        %dma_start3A_63 = arith.constant 0 : i32
        %dma_start3A_64 = tpu.memref_slice %arg15[%dma_start3A_62, %dma_start3A_63] : memref<10048x64xf32, #tpu.memory_space<vmem_shared>> -> memref<10048x64xf32, #tpu.memory_space<vmem_shared>>
        tpu.enqueue_indirect_dma source(%dma_start3A_64 : memref<10048x64xf32, #tpu.memory_space<vmem_shared>>) target(%arg11 : memref<128x64xf32, #tpu.memory_space<vmem>>) offsets(%dma_start3A_61 : memref<128xi32, #tpu.memory_space<vmem>>) semaphore(%arg18 : memref<!tpu.dma_semaphore, #tpu.memory_space<semaphore_mem>>)
        %add3A_65 = arith.constant 1 : i32
        %add3A_66 = arith.addi %mul3A_59, %add3A_65 : i32
        %dma_start3A_67 = arith.constant 0 : i32
        %dma_start3A_68 = tpu.memref_slice %arg9[%add3A_66, %dma_start3A_67] : memref<80x128xi32, #tpu.memory_space<vmem>> -> memref<1x128xi32, #tpu.memory_space<vmem>>
        %dma_start3A_69 = tpu.memref_squeeze %dma_start3A_68 : memref<1x128xi32, #tpu.memory_space<vmem>> -> memref<128xi32, #tpu.memory_space<vmem>>
        %dma_start3A_70 = arith.constant 0 : i32
        %dma_start3A_71 = arith.constant 0 : i32
        %dma_start3A_72 = tpu.memref_slice %arg15[%dma_start3A_70, %dma_start3A_71] : memref<10048x64xf32, #tpu.memory_space<vmem_shared>> -> memref<10048x64xf32, #tpu.memory_space<vmem_shared>>
        tpu.enqueue_indirect_dma source(%dma_start3A_72 : memref<10048x64xf32, #tpu.memory_space<vmem_shared>>) target(%arg12 : memref<128x64xf32, #tpu.memory_space<vmem>>) offsets(%dma_start3A_69 : memref<128xi32, #tpu.memory_space<vmem>>) semaphore(%arg19 : memref<!tpu.dma_semaphore, #tpu.memory_space<semaphore_mem>>)
        %get3A = arith.index_cast %mul3A_59 : i32 to index
        %get3A_73 = arith.constant 0 : index
        %get3A_74 = tpu.vector_load %arg10[%get3A, %get3A_73] {strides = array<i32>} : memref<80x128xi32, #tpu.memory_space<vmem>>, vector<16xi32>,
        %shift_right_logical3A = arith.constant 7 : i32
        %shift_right_logical3A_75 = vector.broadcast %shift_right_logical3A : i32 to vector<16xi32>
        %shift_right_logical3A_76 = arith.shrui %get3A_74, %shift_right_logical3A_75 : vector<16xi32>
        %and3A = arith.constant 127 : i32
        %and3A_77 = vector.broadcast %and3A : i32 to vector<16xi32>
        %and3A_78 = arith.andi %get3A_74, %and3A_77 : vector<16xi32>
        tpu.vector_store_idx %arg13[%shift_right_logical3A_76, %and3A_78], %broadcast_in_dim3A_31 {add = true} : memref<80x128xf32, #tpu.memory_space<vmem>>[vector<16xi32>, vector<16xi32>], vector<16xf32>,
        %get3A_79 = arith.index_cast %mul3A_59 : i32 to index
        %get3A_80 = arith.constant 16 : index
        %get3A_81 = tpu.vector_load %arg10[%get3A_79, %get3A_80] {strides = array<i32>} : memref<80x128xi32, #tpu.memory_space<vmem>>, vector<16xi32>,
        %shift_right_logical3A_82 = arith.constant 7 : i32
        %shift_right_logical3A_83 = vector.broadcast %shift_right_logical3A_82 : i32 to vector<16xi32>
        %shift_right_logical3A_84 = arith.shrui %get3A_81, %shift_right_logical3A_83 : vector<16xi32>
        %and3A_85 = arith.constant 127 : i32
        %and3A_86 = vector.broadcast %and3A_85 : i32 to vector<16xi32>
        %and3A_87 = arith.andi %get3A_81, %and3A_86 : vector<16xi32>
        tpu.vector_store_idx %arg13[%shift_right_logical3A_84, %and3A_87], %broadcast_in_dim3A_31 {add = true} : memref<80x128xf32, #tpu.memory_space<vmem>>[vector<16xi32>, vector<16xi32>], vector<16xf32>,
        %get3A_88 = arith.index_cast %mul3A_59 : i32 to index
        %get3A_89 = arith.constant 32 : index
        %get3A_90 = tpu.vector_load %arg10[%get3A_88, %get3A_89] {strides = array<i32>} : memref<80x128xi32, #tpu.memory_space<vmem>>, vector<16xi32>,
        %shift_right_logical3A_91 = arith.constant 7 : i32
        %shift_right_logical3A_92 = vector.broadcast %shift_right_logical3A_91 : i32 to vector<16xi32>
        %shift_right_logical3A_93 = arith.shrui %get3A_90, %shift_right_logical3A_92 : vector<16xi32>
        %and3A_94 = arith.constant 127 : i32
        %and3A_95 = vector.broadcast %and3A_94 : i32 to vector<16xi32>
        %and3A_96 = arith.andi %get3A_90, %and3A_95 : vector<16xi32>
        tpu.vector_store_idx %arg13[%shift_right_logical3A_93, %and3A_96], %broadcast_in_dim3A_31 {add = true} : memref<80x128xf32, #tpu.memory_space<vmem>>[vector<16xi32>, vector<16xi32>], vector<16xf32>,
        %get3A_97 = arith.index_cast %mul3A_59 : i32 to index
        %get3A_98 = arith.constant 48 : index
        %get3A_99 = tpu.vector_load %arg10[%get3A_97, %get3A_98] {strides = array<i32>} : memref<80x128xi32, #tpu.memory_space<vmem>>, vector<16xi32>,
        %shift_right_logical3A_100 = arith.constant 7 : i32
        %shift_right_logical3A_101 = vector.broadcast %shift_right_logical3A_100 : i32 to vector<16xi32>
        %shift_right_logical3A_102 = arith.shrui %get3A_99, %shift_right_logical3A_101 : vector<16xi32>
        %and3A_103 = arith.constant 127 : i32
        %and3A_104 = vector.broadcast %and3A_103 : i32 to vector<16xi32>
        %and3A_105 = arith.andi %get3A_99, %and3A_104 : vector<16xi32>
        tpu.vector_store_idx %arg13[%shift_right_logical3A_102, %and3A_105], %broadcast_in_dim3A_31 {add = true} : memref<80x128xf32, #tpu.memory_space<vmem>>[vector<16xi32>, vector<16xi32>], vector<16xf32>,
        %get3A_106 = arith.index_cast %mul3A_59 : i32 to index
        %get3A_107 = arith.constant 64 : index
        %get3A_108 = tpu.vector_load %arg10[%get3A_106, %get3A_107] {strides = array<i32>} : memref<80x128xi32, #tpu.memory_space<vmem>>, vector<16xi32>,
        %shift_right_logical3A_109 = arith.constant 7 : i32
        %shift_right_logical3A_110 = vector.broadcast %shift_right_logical3A_109 : i32 to vector<16xi32>
        %shift_right_logical3A_111 = arith.shrui %get3A_108, %shift_right_logical3A_110 : vector<16xi32>
        %and3A_112 = arith.constant 127 : i32
        %and3A_113 = vector.broadcast %and3A_112 : i32 to vector<16xi32>
        %and3A_114 = arith.andi %get3A_108, %and3A_113 : vector<16xi32>
        tpu.vector_store_idx %arg13[%shift_right_logical3A_111, %and3A_114], %broadcast_in_dim3A_31 {add = true} : memref<80x128xf32, #tpu.memory_space<vmem>>[vector<16xi32>, vector<16xi32>], vector<16xf32>,
        %get3A_115 = arith.index_cast %mul3A_59 : i32 to index
        %get3A_116 = arith.constant 80 : index
        %get3A_117 = tpu.vector_load %arg10[%get3A_115, %get3A_116] {strides = array<i32>} : memref<80x128xi32, #tpu.memory_space<vmem>>, vector<16xi32>,
        %shift_right_logical3A_118 = arith.constant 7 : i32
        %shift_right_logical3A_119 = vector.broadcast %shift_right_logical3A_118 : i32 to vector<16xi32>
        %shift_right_logical3A_120 = arith.shrui %get3A_117, %shift_right_logical3A_119 : vector<16xi32>
        %and3A_121 = arith.constant 127 : i32
        %and3A_122 = vector.broadcast %and3A_121 : i32 to vector<16xi32>
        %and3A_123 = arith.andi %get3A_117, %and3A_122 : vector<16xi32>
        tpu.vector_store_idx %arg13[%shift_right_logical3A_120, %and3A_123], %broadcast_in_dim3A_31 {add = true} : memref<80x128xf32, #tpu.memory_space<vmem>>[vector<16xi32>, vector<16xi32>], vector<16xf32>,
        %get3A_124 = arith.index_cast %mul3A_59 : i32 to index
        %get3A_125 = arith.constant 96 : index
        %get3A_126 = tpu.vector_load %arg10[%get3A_124, %get3A_125] {strides = array<i32>} : memref<80x128xi32, #tpu.memory_space<vmem>>, vector<16xi32>,
        %shift_right_logical3A_127 = arith.constant 7 : i32
        %shift_right_logical3A_128 = vector.broadcast %shift_right_logical3A_127 : i32 to vector<16xi32>
        %shift_right_logical3A_129 = arith.shrui %get3A_126, %shift_right_logical3A_128 : vector<16xi32>
        %and3A_130 = arith.constant 127 : i32
        %and3A_131 = vector.broadcast %and3A_130 : i32 to vector<16xi32>
        %and3A_132 = arith.andi %get3A_126, %and3A_131 : vector<16xi32>
        tpu.vector_store_idx %arg13[%shift_right_logical3A_129, %and3A_132], %broadcast_in_dim3A_31 {add = true} : memref<80x128xf32, #tpu.memory_space<vmem>>[vector<16xi32>, vector<16xi32>], vector<16xf32>,
        %get3A_133 = arith.index_cast %mul3A_59 : i32 to index
        %get3A_134 = arith.constant 112 : index
        %get3A_135 = tpu.vector_load %arg10[%get3A_133, %get3A_134] {strides = array<i32>} : memref<80x128xi32, #tpu.memory_space<vmem>>, vector<16xi32>,
        %shift_right_logical3A_136 = arith.constant 7 : i32
        %shift_right_logical3A_137 = vector.broadcast %shift_right_logical3A_136 : i32 to vector<16xi32>
        %shift_right_logical3A_138 = arith.shrui %get3A_135, %shift_right_logical3A_137 : vector<16xi32>
        %and3A_139 = arith.constant 127 : i32
        %and3A_140 = vector.broadcast %and3A_139 : i32 to vector<16xi32>
        %and3A_141 = arith.andi %get3A_135, %and3A_140 : vector<16xi32>
        tpu.vector_store_idx %arg13[%shift_right_logical3A_138, %and3A_141], %broadcast_in_dim3A_31 {add = true} : memref<80x128xf32, #tpu.memory_space<vmem>>[vector<16xi32>, vector<16xi32>], vector<16xf32>,
        %add3A_142 = arith.constant 1 : i32
        %add3A_143 = arith.addi %mul3A_59, %add3A_142 : i32
        %get3A_144 = arith.index_cast %add3A_143 : i32 to index
        %get3A_145 = arith.constant 0 : index
        %get3A_146 = tpu.vector_load %arg10[%get3A_144, %get3A_145] {strides = array<i32>} : memref<80x128xi32, #tpu.memory_space<vmem>>, vector<16xi32>,
        %shift_right_logical3A_147 = arith.constant 7 : i32
        %shift_right_logical3A_148 = vector.broadcast %shift_right_logical3A_147 : i32 to vector<16xi32>
        %shift_right_logical3A_149 = arith.shrui %get3A_146, %shift_right_logical3A_148 : vector<16xi32>
        %and3A_150 = arith.constant 127 : i32
        %and3A_151 = vector.broadcast %and3A_150 : i32 to vector<16xi32>
        %and3A_152 = arith.andi %get3A_146, %and3A_151 : vector<16xi32>
        tpu.vector_store_idx %arg13[%shift_right_logical3A_149, %and3A_152], %broadcast_in_dim3A_31 {add = true} : memref<80x128xf32, #tpu.memory_space<vmem>>[vector<16xi32>, vector<16xi32>], vector<16xf32>,
        %get3A_153 = arith.index_cast %add3A_143 : i32 to index
        %get3A_154 = arith.constant 16 : index
        %get3A_155 = tpu.vector_load %arg10[%get3A_153, %get3A_154] {strides = array<i32>} : memref<80x128xi32, #tpu.memory_space<vmem>>, vector<16xi32>,
        %shift_right_logical3A_156 = arith.constant 7 : i32
        %shift_right_logical3A_157 = vector.broadcast %shift_right_logical3A_156 : i32 to vector<16xi32>
        %shift_right_logical3A_158 = arith.shrui %get3A_155, %shift_right_logical3A_157 : vector<16xi32>
        %and3A_159 = arith.constant 127 : i32
        %and3A_160 = vector.broadcast %and3A_159 : i32 to vector<16xi32>
        %and3A_161 = arith.andi %get3A_155, %and3A_160 : vector<16xi32>
        tpu.vector_store_idx %arg13[%shift_right_logical3A_158, %and3A_161], %broadcast_in_dim3A_31 {add = true} : memref<80x128xf32, #tpu.memory_space<vmem>>[vector<16xi32>, vector<16xi32>], vector<16xf32>,
        %get3A_162 = arith.index_cast %add3A_143 : i32 to index
        %get3A_163 = arith.constant 32 : index
        %get3A_164 = tpu.vector_load %arg10[%get3A_162, %get3A_163] {strides = array<i32>} : memref<80x128xi32, #tpu.memory_space<vmem>>, vector<16xi32>,
        %shift_right_logical3A_165 = arith.constant 7 : i32
        %shift_right_logical3A_166 = vector.broadcast %shift_right_logical3A_165 : i32 to vector<16xi32>
        %shift_right_logical3A_167 = arith.shrui %get3A_164, %shift_right_logical3A_166 : vector<16xi32>
        %and3A_168 = arith.constant 127 : i32
        %and3A_169 = vector.broadcast %and3A_168 : i32 to vector<16xi32>
        %and3A_170 = arith.andi %get3A_164, %and3A_169 : vector<16xi32>
        tpu.vector_store_idx %arg13[%shift_right_logical3A_167, %and3A_170], %broadcast_in_dim3A_31 {add = true} : memref<80x128xf32, #tpu.memory_space<vmem>>[vector<16xi32>, vector<16xi32>], vector<16xf32>,
        %get3A_171 = arith.index_cast %add3A_143 : i32 to index
        %get3A_172 = arith.constant 48 : index
        %get3A_173 = tpu.vector_load %arg10[%get3A_171, %get3A_172] {strides = array<i32>} : memref<80x128xi32, #tpu.memory_space<vmem>>, vector<16xi32>,
        %shift_right_logical3A_174 = arith.constant 7 : i32
        %shift_right_logical3A_175 = vector.broadcast %shift_right_logical3A_174 : i32 to vector<16xi32>
        %shift_right_logical3A_176 = arith.shrui %get3A_173, %shift_right_logical3A_175 : vector<16xi32>
        %and3A_177 = arith.constant 127 : i32
        %and3A_178 = vector.broadcast %and3A_177 : i32 to vector<16xi32>
        %and3A_179 = arith.andi %get3A_173, %and3A_178 : vector<16xi32>
        tpu.vector_store_idx %arg13[%shift_right_logical3A_176, %and3A_179], %broadcast_in_dim3A_31 {add = true} : memref<80x128xf32, #tpu.memory_space<vmem>>[vector<16xi32>, vector<16xi32>], vector<16xf32>,
        %get3A_180 = arith.index_cast %add3A_143 : i32 to index
        %get3A_181 = arith.constant 64 : index
        %get3A_182 = tpu.vector_load %arg10[%get3A_180, %get3A_181] {strides = array<i32>} : memref<80x128xi32, #tpu.memory_space<vmem>>, vector<16xi32>,
        %shift_right_logical3A_183 = arith.constant 7 : i32
        %shift_right_logical3A_184 = vector.broadcast %shift_right_logical3A_183 : i32 to vector<16xi32>
        %shift_right_logical3A_185 = arith.shrui %get3A_182, %shift_right_logical3A_184 : vector<16xi32>
        %and3A_186 = arith.constant 127 : i32
        %and3A_187 = vector.broadcast %and3A_186 : i32 to vector<16xi32>
        %and3A_188 = arith.andi %get3A_182, %and3A_187 : vector<16xi32>
        tpu.vector_store_idx %arg13[%shift_right_logical3A_185, %and3A_188], %broadcast_in_dim3A_31 {add = true} : memref<80x128xf32, #tpu.memory_space<vmem>>[vector<16xi32>, vector<16xi32>], vector<16xf32>,
        %get3A_189 = arith.index_cast %add3A_143 : i32 to index
        %get3A_190 = arith.constant 80 : index
        %get3A_191 = tpu.vector_load %arg10[%get3A_189, %get3A_190] {strides = array<i32>} : memref<80x128xi32, #tpu.memory_space<vmem>>, vector<16xi32>,
        %shift_right_logical3A_192 = arith.constant 7 : i32
        %shift_right_logical3A_193 = vector.broadcast %shift_right_logical3A_192 : i32 to vector<16xi32>
        %shift_right_logical3A_194 = arith.shrui %get3A_191, %shift_right_logical3A_193 : vector<16xi32>
        %and3A_195 = arith.constant 127 : i32
        %and3A_196 = vector.broadcast %and3A_195 : i32 to vector<16xi32>
        %and3A_197 = arith.andi %get3A_191, %and3A_196 : vector<16xi32>
        tpu.vector_store_idx %arg13[%shift_right_logical3A_194, %and3A_197], %broadcast_in_dim3A_31 {add = true} : memref<80x128xf32, #tpu.memory_space<vmem>>[vector<16xi32>, vector<16xi32>], vector<16xf32>,
        %get3A_198 = arith.index_cast %add3A_143 : i32 to index
        %get3A_199 = arith.constant 96 : index
        %get3A_200 = tpu.vector_load %arg10[%get3A_198, %get3A_199] {strides = array<i32>} : memref<80x128xi32, #tpu.memory_space<vmem>>, vector<16xi32>,
        %shift_right_logical3A_201 = arith.constant 7 : i32
        %shift_right_logical3A_202 = vector.broadcast %shift_right_logical3A_201 : i32 to vector<16xi32>
        %shift_right_logical3A_203 = arith.shrui %get3A_200, %shift_right_logical3A_202 : vector<16xi32>
        %and3A_204 = arith.constant 127 : i32
        %and3A_205 = vector.broadcast %and3A_204 : i32 to vector<16xi32>
        %and3A_206 = arith.andi %get3A_200, %and3A_205 : vector<16xi32>
        tpu.vector_store_idx %arg13[%shift_right_logical3A_203, %and3A_206], %broadcast_in_dim3A_31 {add = true} : memref<80x128xf32, #tpu.memory_space<vmem>>[vector<16xi32>, vector<16xi32>], vector<16xf32>,
        %get3A_207 = arith.index_cast %add3A_143 : i32 to index
        %get3A_208 = arith.constant 112 : index
        %get3A_209 = tpu.vector_load %arg10[%get3A_207, %get3A_208] {strides = array<i32>} : memref<80x128xi32, #tpu.memory_space<vmem>>, vector<16xi32>,
        %shift_right_logical3A_210 = arith.constant 7 : i32
        %shift_right_logical3A_211 = vector.broadcast %shift_right_logical3A_210 : i32 to vector<16xi32>
        %shift_right_logical3A_212 = arith.shrui %get3A_209, %shift_right_logical3A_211 : vector<16xi32>
        %and3A_213 = arith.constant 127 : i32
        %and3A_214 = vector.broadcast %and3A_213 : i32 to vector<16xi32>
        %and3A_215 = arith.andi %get3A_209, %and3A_214 : vector<16xi32>
        tpu.vector_store_idx %arg13[%shift_right_logical3A_212, %and3A_215], %broadcast_in_dim3A_31 {add = true} : memref<80x128xf32, #tpu.memory_space<vmem>>[vector<16xi32>, vector<16xi32>], vector<16xf32>,
        %dma_wait3A = arith.constant 0 : i32
        %dma_wait3A_216 = tpu.memref_slice %arg9[%mul3A_59, %dma_wait3A] : memref<80x128xi32, #tpu.memory_space<vmem>> -> memref<1x128xi32, #tpu.memory_space<vmem>>
        %dma_wait3A_217 = tpu.memref_squeeze %dma_wait3A_216 : memref<1x128xi32, #tpu.memory_space<vmem>> -> memref<128xi32, #tpu.memory_space<vmem>>
        %dma_wait3A_218 = arith.constant 0 : i32
        %dma_wait3A_219 = arith.constant 0 : i32
        %dma_wait3A_220 = tpu.memref_slice %arg15[%dma_wait3A_218, %dma_wait3A_219] : memref<10048x64xf32, #tpu.memory_space<vmem_shared>> -> memref<10048x64xf32, #tpu.memory_space<vmem_shared>>
        tpu.wait_indirect_dma semaphore(%arg18 : memref<!tpu.dma_semaphore, #tpu.memory_space<semaphore_mem>>) src(%dma_wait3A_220 : memref<10048x64xf32, #tpu.memory_space<vmem_shared>>) dst(%arg11 : memref<128x64xf32, #tpu.memory_space<vmem>>)
        %dma_start3A_221 = arith.constant 0 : i32
        %dma_start3A_222 = tpu.memref_slice %arg10[%mul3A_59, %dma_start3A_221] : memref<80x128xi32, #tpu.memory_space<vmem>> -> memref<1x128xi32, #tpu.memory_space<vmem>>
        %dma_start3A_223 = tpu.memref_squeeze %dma_start3A_222 : memref<1x128xi32, #tpu.memory_space<vmem>> -> memref<128xi32, #tpu.memory_space<vmem>>
        %dma_start3A_224 = arith.constant 0 : i32
        %dma_start3A_225 = arith.constant 0 : i32
        %dma_start3A_226 = tpu.memref_slice %arg16[%dma_start3A_224, %dma_start3A_225] : memref<10240x64xf32, #tpu.memory_space<vmem_shared>> -> memref<10240x64xf32, #tpu.memory_space<vmem_shared>>
        tpu.enqueue_indirect_dma source(%arg11 : memref<128x64xf32, #tpu.memory_space<vmem>>) target(%dma_start3A_226 : memref<10240x64xf32, #tpu.memory_space<vmem_shared>>) offsets(%dma_start3A_223 : memref<128xi32, #tpu.memory_space<vmem>>) semaphore(%arg20 : memref<!tpu.dma_semaphore, #tpu.memory_space<semaphore_mem>>) {add = true}
        %dma_wait3A_227 = arith.constant 0 : i32
        %dma_wait3A_228 = tpu.memref_slice %arg9[%add3A_66, %dma_wait3A_227] : memref<80x128xi32, #tpu.memory_space<vmem>> -> memref<1x128xi32, #tpu.memory_space<vmem>>
        %dma_wait3A_229 = tpu.memref_squeeze %dma_wait3A_228 : memref<1x128xi32, #tpu.memory_space<vmem>> -> memref<128xi32, #tpu.memory_space<vmem>>
        %dma_wait3A_230 = arith.constant 0 : i32
        %dma_wait3A_231 = arith.constant 0 : i32
        %dma_wait3A_232 = tpu.memref_slice %arg15[%dma_wait3A_230, %dma_wait3A_231] : memref<10048x64xf32, #tpu.memory_space<vmem_shared>> -> memref<10048x64xf32, #tpu.memory_space<vmem_shared>>
        tpu.wait_indirect_dma semaphore(%arg19 : memref<!tpu.dma_semaphore, #tpu.memory_space<semaphore_mem>>) src(%dma_wait3A_232 : memref<10048x64xf32, #tpu.memory_space<vmem_shared>>) dst(%arg12 : memref<128x64xf32, #tpu.memory_space<vmem>>)
        %add3A_233 = arith.constant 1 : i32
        %add3A_234 = arith.addi %mul3A_59, %add3A_233 : i32
        %dma_start3A_235 = arith.constant 0 : i32
        %dma_start3A_236 = tpu.memref_slice %arg10[%add3A_234, %dma_start3A_235] : memref<80x128xi32, #tpu.memory_space<vmem>> -> memref<1x128xi32, #tpu.memory_space<vmem>>
        %dma_start3A_237 = tpu.memref_squeeze %dma_start3A_236 : memref<1x128xi32, #tpu.memory_space<vmem>> -> memref<128xi32, #tpu.memory_space<vmem>>
        %dma_start3A_238 = arith.constant 0 : i32
        %dma_start3A_239 = arith.constant 0 : i32
        %dma_start3A_240 = tpu.memref_slice %arg16[%dma_start3A_238, %dma_start3A_239] : memref<10240x64xf32, #tpu.memory_space<vmem_shared>> -> memref<10240x64xf32, #tpu.memory_space<vmem_shared>>
        tpu.enqueue_indirect_dma source(%arg12 : memref<128x64xf32, #tpu.memory_space<vmem>>) target(%dma_start3A_240 : memref<10240x64xf32, #tpu.memory_space<vmem_shared>>) offsets(%dma_start3A_237 : memref<128xi32, #tpu.memory_space<vmem>>) semaphore(%arg21 : memref<!tpu.dma_semaphore, #tpu.memory_space<semaphore_mem>>) {add = true}
        %dma_wait3A_241 = arith.constant 0 : i32
        %dma_wait3A_242 = tpu.memref_slice %arg10[%mul3A_59, %dma_wait3A_241] : memref<80x128xi32, #tpu.memory_space<vmem>> -> memref<1x128xi32, #tpu.memory_space<vmem>>
        %dma_wait3A_243 = tpu.memref_squeeze %dma_wait3A_242 : memref<1x128xi32, #tpu.memory_space<vmem>> -> memref<128xi32, #tpu.memory_space<vmem>>
        %dma_wait3A_244 = arith.constant 0 : i32
        %dma_wait3A_245 = arith.constant 0 : i32
        %dma_wait3A_246 = tpu.memref_slice %arg16[%dma_wait3A_244, %dma_wait3A_245] : memref<10240x64xf32, #tpu.memory_space<vmem_shared>> -> memref<10240x64xf32, #tpu.memory_space<vmem_shared>>
        tpu.wait_indirect_dma semaphore(%arg20 : memref<!tpu.dma_semaphore, #tpu.memory_space<semaphore_mem>>) src(%arg11 : memref<128x64xf32, #tpu.memory_space<vmem>>) dst(%dma_wait3A_246 : memref<10240x64xf32, #tpu.memory_space<vmem_shared>>)
        %dma_wait3A_247 = arith.constant 0 : i32
        %dma_wait3A_248 = tpu.memref_slice %arg10[%add3A_234, %dma_wait3A_247] : memref<80x128xi32, #tpu.memory_space<vmem>> -> memref<1x128xi32, #tpu.memory_space<vmem>>
        %dma_wait3A_249 = tpu.memref_squeeze %dma_wait3A_248 : memref<1x128xi32, #tpu.memory_space<vmem>> -> memref<128xi32, #tpu.memory_space<vmem>>
        %dma_wait3A_250 = arith.constant 0 : i32
        %dma_wait3A_251 = arith.constant 0 : i32
        %dma_wait3A_252 = tpu.memref_slice %arg16[%dma_wait3A_250, %dma_wait3A_251] : memref<10240x64xf32, #tpu.memory_space<vmem_shared>> -> memref<10240x64xf32, #tpu.memory_space<vmem_shared>>
        tpu.wait_indirect_dma semaphore(%arg21 : memref<!tpu.dma_semaphore, #tpu.memory_space<semaphore_mem>>) src(%arg12 : memref<128x64xf32, #tpu.memory_space<vmem>>) dst(%dma_wait3A_252 : memref<10240x64xf32, #tpu.memory_space<vmem_shared>>)
      }
      %scan3A_56 = arith.constant 40 : i32
    }
    %scan3A_37 = arith.constant 2 : i32
    "tpu.region"() ({
      %run_scoped3A = tpu.sem_alloc : memref<!tpu.dma_semaphore, #tpu.memory_space<semaphore_mem>>
      %dma_start3A = arith.constant 0 : i32
      %dma_start3A_46 = arith.constant 0 : i32
      %dma_start3A_47 = tpu.memref_slice %arg17[%dma_start3A, %dma_start3A_46] : memref<80x128xf32, #tpu.memory_space<vmem_shared>> -> memref<80x128xf32, #tpu.memory_space<vmem_shared>>
      tpu.enqueue_indirect_dma source(%arg13 : memref<80x128xf32, #tpu.memory_space<vmem>>) target(%dma_start3A_47 : memref<80x128xf32, #tpu.memory_space<vmem_shared>>) offsets(%arg14 : memref<80xi32, #tpu.memory_space<vmem>>) semaphore(%run_scoped3A : memref<!tpu.dma_semaphore, #tpu.memory_space<semaphore_mem>>) {add = true}
      %dma_wait3A = arith.constant 0 : i32
      %dma_wait3A_48 = arith.constant 0 : i32
      %dma_wait3A_49 = tpu.memref_slice %arg17[%dma_wait3A, %dma_wait3A_48] : memref<80x128xf32, #tpu.memory_space<vmem_shared>> -> memref<80x128xf32, #tpu.memory_space<vmem_shared>>
      tpu.wait_indirect_dma semaphore(%run_scoped3A : memref<!tpu.dma_semaphore, #tpu.memory_space<semaphore_mem>>) src(%arg13 : memref<80x128xf32, #tpu.memory_space<vmem>>) dst(%dma_wait3A_49 : memref<80x128xf32, #tpu.memory_space<vmem_shared>>)
      tpu.yield
    }) : () -> ()
    %barrier3A_38 = arith.constant 0 : index
    tpu.barrier barrier_id(%barrier3A_38)
    %mul3A_39 = arith.constant 64 : i32
    %mul3A_40 = arith.muli %arg0, %mul3A_39 : i32
    "tpu.region"() ({
      %run_scoped3A = tpu.sem_alloc : memref<!tpu.dma_semaphore, #tpu.memory_space<semaphore_mem>>
      %dma_start3A = tpu.memref_slice %arg7[%mul3A_0, %mul3A_40] : memref<10240x128xf32, #tpu.memory_space<hbm>> -> memref<640x64xf32, #tpu.memory_space<hbm>>
      %dma_start3A_46 = arith.constant 0 : i32
      %dma_start3A_47 = tpu.memref_slice %arg16[%mul3A_0, %dma_start3A_46] : memref<10240x64xf32, #tpu.memory_space<vmem_shared>> -> memref<640x64xf32, #tpu.memory_space<vmem_shared>>
      tpu.enqueue_dma source(%dma_start3A_47 : memref<640x64xf32, #tpu.memory_space<vmem_shared>>) target(%dma_start3A : memref<640x64xf32, #tpu.memory_space<hbm>>) target_semaphore(%run_scoped3A : memref<!tpu.dma_semaphore, #tpu.memory_space<semaphore_mem>>)
      %dma_wait3A = tpu.memref_slice %arg7[%mul3A_0, %mul3A_40] : memref<10240x128xf32, #tpu.memory_space<hbm>> -> memref<640x64xf32, #tpu.memory_space<hbm>>
      %dma_wait3A_48 = arith.constant 0 : i32
      %dma_wait3A_49 = tpu.memref_slice %arg16[%mul3A_0, %dma_wait3A_48] : memref<10240x64xf32, #tpu.memory_space<vmem_shared>> -> memref<640x64xf32, #tpu.memory_space<vmem_shared>>
      tpu.wait_dma2 semaphore(%run_scoped3A : memref<!tpu.dma_semaphore, #tpu.memory_space<semaphore_mem>>) src(%dma_wait3A_49 : memref<640x64xf32, #tpu.memory_space<vmem_shared>>) dst(%dma_wait3A : memref<640x64xf32, #tpu.memory_space<hbm>>)
      tpu.yield
    }) : () -> ()
    %eq3A_41 = arith.constant 0 : i32
    %eq3A_42 = arith.cmpi eq, %arg1, %eq3A_41 : i32
    %convert_element_type3A_43 = arith.extui %eq3A_42 : i1 to i32
    %cond3A_44 = arith.constant 0 : i32
    %cond3A_45 = arith.cmpi ne, %convert_element_type3A_43, %cond3A_44 : i32
    scf.if %cond3A_45 {
      "tpu.region"() ({
        %run_scoped3A = tpu.sem_alloc : memref<!tpu.dma_semaphore, #tpu.memory_space<semaphore_mem>>
        %dma_start3A = arith.constant 0 : i32
        %dma_start3A_46 = arith.constant 0 : i32
        %dma_start3A_47 = tpu.memref_slice %arg8[%arg0, %dma_start3A, %dma_start3A_46] : memref<2x80x128xf32, #tpu.memory_space<hbm>> -> memref<1x80x128xf32, #tpu.memory_space<hbm>>
        %dma_start3A_48 = tpu.memref_squeeze %dma_start3A_47 : memref<1x80x128xf32, #tpu.memory_space<hbm>> -> memref<80x128xf32, #tpu.memory_space<hbm>>
        tpu.enqueue_dma source(%arg17 : memref<80x128xf32, #tpu.memory_space<vmem_shared>>) target(%dma_start3A_48 : memref<80x128xf32, #tpu.memory_space<hbm>>) target_semaphore(%run_scoped3A : memref<!tpu.dma_semaphore, #tpu.memory_space<semaphore_mem>>)
        %dma_wait3A = arith.constant 0 : i32
        %dma_wait3A_49 = arith.constant 0 : i32
        %dma_wait3A_50 = tpu.memref_slice %arg8[%arg0, %dma_wait3A, %dma_wait3A_49] : memref<2x80x128xf32, #tpu.memory_space<hbm>> -> memref<1x80x128xf32, #tpu.memory_space<hbm>>
        %dma_wait3A_51 = tpu.memref_squeeze %dma_wait3A_50 : memref<1x80x128xf32, #tpu.memory_space<hbm>> -> memref<80x128xf32, #tpu.memory_space<hbm>>
        tpu.wait_dma2 semaphore(%run_scoped3A : memref<!tpu.dma_semaphore, #tpu.memory_space<semaphore_mem>>) src(%arg17 : memref<80x128xf32, #tpu.memory_space<vmem_shared>>) dst(%dma_wait3A_51 : memref<80x128xf32, #tpu.memory_space<hbm>>)
        tpu.yield
      }) : () -> ()
    } else {
    }
    return
  }
}

module attributes {stable_mosaic.version = 14 : i64} {
  func.func @_tc_rmm_body(%arg0: i32, %arg1: memref<1000x128xf32, #tpu.memory_space<vmem>>, %arg2: memref<128x128xf32, #tpu.memory_space<vmem>>, %arg3: memref<1000x128xf32, #tpu.memory_space<vmem>>) attributes {dimension_semantics = [#tpu.dimension_semantics<arbitrary>], iteration_bounds = array<i64: 10>, scalar_prefetch = 0 : i64, scratch_operands = 0 : i64, tpu.core_type = #tpu.core_type<tc>, window_params = [{transform_indices = @transform_0, window_bounds = array<i64: 1000, 128>}, {pipeline_mode = #tpu.pipeline_mode<synchronous>, transform_indices = @transform_1, window_bounds = array<i64: 128, 128>}, {transform_indices = @transform_2, window_bounds = array<i64: 1000, 128>}]} {
    %get3A = arith.constant 0 : index
    %get3A_0 = arith.constant 0 : index
    %get3A_1 = vector.load %arg1[%get3A, %get3A_0] : memref<1000x128xf32, #tpu.memory_space<vmem>>, vector<1000x128xf32>
    %get3A_2 = arith.constant 0 : index
    %get3A_3 = arith.constant 0 : index
    %get3A_4 = vector.load %arg2[%get3A_2, %get3A_3] : memref<128x128xf32, #tpu.memory_space<vmem>>, vector<128x128xf32>
    %dot_general3A = arith.constant dense<0.000000e+00> : vector<1000x128xf32>
    %dot_general3A_5 = tpu.matmul %get3A_1, %get3A_4, %dot_general3A {dimension_numbers = #tpu.dot_dimension_numbers<[1], [0], [0], [1], [0, 0, 1, 1], [], []>, transpose_lhs_hint = false} : vector<1000x128xf32>, vector<128x128xf32>, vector<1000x128xf32> -> vector<1000x128xf32>
    %swap3A = arith.constant 0 : index
    %swap3A_6 = arith.constant 0 : index
    %swap3A_7 = vector.load %arg3[%swap3A, %swap3A_6] : memref<1000x128xf32, #tpu.memory_space<vmem>>, vector<1000x128xf32>
    tpu.vector_store %arg3[%swap3A, %swap3A_6], %dot_general3A_5 {strides = array<i32>} : memref<1000x128xf32, #tpu.memory_space<vmem>>, vector<1000x128xf32>,
    return
  }
  func.func @transform_0(%arg0: i32) -> (i32, i32) {
    %c0_i32 = arith.constant 0 : i32
    %c0_i32_0 = arith.constant 0 : i32
    return %arg0, %c0_i32 : i32, i32
  }
  func.func @transform_1(%arg0: i32) -> (i32, i32) {
    %c0_i32 = arith.constant 0 : i32
    %c0_i32_0 = arith.constant 0 : i32
    %c0_i32_1 = arith.constant 0 : i32
    return %c0_i32, %c0_i32_0 : i32, i32
  }
  func.func @transform_2(%arg0: i32) -> (i32, i32) {
    %c0_i32 = arith.constant 0 : i32
    %c0_i32_0 = arith.constant 0 : i32
    return %arg0, %c0_i32 : i32, i32
  }
}

module attributes {stable_mosaic.version = 14 : i64} {
  func.func @_tc_mid_body(%arg0: i32, %arg1: memref<1000x128xf32, #tpu.memory_space<vmem>>, %arg2: memref<1000x1xf32, #tpu.memory_space<vmem>>, %arg3: memref<1x128xf32, #tpu.memory_space<vmem>>, %arg4: memref<1000x128xf32, #tpu.memory_space<vmem>>, %arg5: memref<128x128xf32, #tpu.memory_space<vmem>>, %arg6: memref<1000x128xf32, #tpu.memory_space<vmem>>, %arg7: memref<1000x128xf32, #tpu.memory_space<vmem>>) attributes {dimension_semantics = [#tpu.dimension_semantics<arbitrary>], iteration_bounds = array<i64: 10>, scalar_prefetch = 0 : i64, scratch_operands = 0 : i64, tpu.core_type = #tpu.core_type<tc>, window_params = [{transform_indices = @transform_0, window_bounds = array<i64: 1000, 128>}, {transform_indices = @transform_1, window_bounds = array<i64: 1000, 1>}, {pipeline_mode = #tpu.pipeline_mode<synchronous>, transform_indices = @transform_2, window_bounds = array<i64: 1, 128>}, {transform_indices = @transform_3, window_bounds = array<i64: 1000, 128>}, {pipeline_mode = #tpu.pipeline_mode<synchronous>, transform_indices = @transform_4, window_bounds = array<i64: 128, 128>}, {transform_indices = @transform_5, window_bounds = array<i64: 1000, 128>}, {transform_indices = @transform_6, window_bounds = array<i64: 1000, 128>}]} {
    %get3A = arith.constant 0 : index
    %get3A_0 = arith.constant 0 : index
    %get3A_1 = vector.load %arg2[%get3A, %get3A_0] : memref<1000x1xf32, #tpu.memory_space<vmem>>, vector<1000x1xf32>
    %max3A = arith.constant 1.000000e+00 : f32
    %max3A_2 = vector.broadcast %max3A : f32 to vector<1000x1xf32>
    %max3A_3 = arith.maximumf %get3A_1, %max3A_2 : vector<1000x1xf32>
    %div3A = arith.constant 1.000000e+00 : f32
    %div3A_4 = vector.broadcast %div3A : f32 to vector<1000x1xf32>
    %div3A_5 = arith.divf %div3A_4, %max3A_3 : vector<1000x1xf32>
    %get3A_6 = arith.constant 0 : index
    %get3A_7 = arith.constant 0 : index
    %get3A_8 = vector.load %arg1[%get3A_6, %get3A_7] : memref<1000x128xf32, #tpu.memory_space<vmem>>, vector<1000x128xf32>
    %mul3A = vector.broadcast %div3A_5 : vector<1000x1xf32> to vector<1000x128xf32>
    %mul3A_9 = arith.mulf %get3A_8, %mul3A : vector<1000x128xf32>
    %get3A_10 = arith.constant 0 : index
    %get3A_11 = arith.constant 0 : index
    %get3A_12 = vector.load %arg3[%get3A_10, %get3A_11] : memref<1x128xf32, #tpu.memory_space<vmem>>, vector<1x128xf32>
    %add3A = vector.broadcast %get3A_12 : vector<1x128xf32> to vector<1000x128xf32>
    %add3A_13 = arith.addf %mul3A_9, %add3A : vector<1000x128xf32>
    %get3A_14 = arith.constant 0 : index
    %get3A_15 = arith.constant 0 : index
    %get3A_16 = vector.load %arg4[%get3A_14, %get3A_15] : memref<1000x128xf32, #tpu.memory_space<vmem>>, vector<1000x128xf32>
    %add3A_17 = arith.addf %add3A_13, %get3A_16 : vector<1000x128xf32>
    %max3A_18 = arith.constant 0.000000e+00 : f32
    %max3A_19 = vector.broadcast %max3A_18 : f32 to vector<1000x128xf32>
    %max3A_20 = arith.maximumf %add3A_17, %max3A_19 : vector<1000x128xf32>
    %swap3A = arith.constant 0 : index
    %swap3A_21 = arith.constant 0 : index
    %swap3A_22 = vector.load %arg6[%swap3A, %swap3A_21] : memref<1000x128xf32, #tpu.memory_space<vmem>>, vector<1000x128xf32>
    tpu.vector_store %arg6[%swap3A, %swap3A_21], %max3A_20 {strides = array<i32>} : memref<1000x128xf32, #tpu.memory_space<vmem>>, vector<1000x128xf32>,
    %get3A_23 = arith.constant 0 : index
    %get3A_24 = arith.constant 0 : index
    %get3A_25 = vector.load %arg5[%get3A_23, %get3A_24] : memref<128x128xf32, #tpu.memory_space<vmem>>, vector<128x128xf32>
    %dot_general3A = arith.constant dense<0.000000e+00> : vector<1000x128xf32>
    %dot_general3A_26 = tpu.matmul %max3A_20, %get3A_25, %dot_general3A {dimension_numbers = #tpu.dot_dimension_numbers<[1], [0], [0], [1], [0, 0, 1, 1], [], []>, transpose_lhs_hint = false} : vector<1000x128xf32>, vector<128x128xf32>, vector<1000x128xf32> -> vector<1000x128xf32>
    %swap3A_27 = arith.constant 0 : index
    %swap3A_28 = arith.constant 0 : index
    %swap3A_29 = vector.load %arg7[%swap3A_27, %swap3A_28] : memref<1000x128xf32, #tpu.memory_space<vmem>>, vector<1000x128xf32>
    tpu.vector_store %arg7[%swap3A_27, %swap3A_28], %dot_general3A_26 {strides = array<i32>} : memref<1000x128xf32, #tpu.memory_space<vmem>>, vector<1000x128xf32>,
    return
  }
  func.func @transform_0(%arg0: i32) -> (i32, i32) {
    %c0_i32 = arith.constant 0 : i32
    %c0_i32_0 = arith.constant 0 : i32
    return %arg0, %c0_i32 : i32, i32
  }
  func.func @transform_1(%arg0: i32) -> (i32, i32) {
    %c0_i32 = arith.constant 0 : i32
    %c0_i32_0 = arith.constant 0 : i32
    return %arg0, %c0_i32 : i32, i32
  }
  func.func @transform_2(%arg0: i32) -> (i32, i32) {
    %c0_i32 = arith.constant 0 : i32
    %c0_i32_0 = arith.constant 0 : i32
    %c0_i32_1 = arith.constant 0 : i32
    return %c0_i32, %c0_i32_0 : i32, i32
  }
  func.func @transform_3(%arg0: i32) -> (i32, i32) {
    %c0_i32 = arith.constant 0 : i32
    %c0_i32_0 = arith.constant 0 : i32
    return %arg0, %c0_i32 : i32, i32
  }
  func.func @transform_4(%arg0: i32) -> (i32, i32) {
    %c0_i32 = arith.constant 0 : i32
    %c0_i32_0 = arith.constant 0 : i32
    %c0_i32_1 = arith.constant 0 : i32
    return %c0_i32, %c0_i32_0 : i32, i32
  }
  func.func @transform_5(%arg0: i32) -> (i32, i32) {
    %c0_i32 = arith.constant 0 : i32
    %c0_i32_0 = arith.constant 0 : i32
    return %arg0, %c0_i32 : i32, i32
  }
  func.func @transform_6(%arg0: i32) -> (i32, i32) {
    %c0_i32 = arith.constant 0 : i32
    %c0_i32_0 = arith.constant 0 : i32
    return %arg0, %c0_i32 : i32, i32
  }
}

module attributes {stable_mosaic.version = 14 : i64} {
  func.func @_tc_post_body(%arg0: i32, %arg1: memref<1000x128xf32, #tpu.memory_space<vmem>>, %arg2: memref<1000x1xf32, #tpu.memory_space<vmem>>, %arg3: memref<1x128xf32, #tpu.memory_space<vmem>>, %arg4: memref<1000x128xf32, #tpu.memory_space<vmem>>, %arg5: memref<1x1000x128xf32, #tpu.memory_space<vmem>>) attributes {dimension_semantics = [#tpu.dimension_semantics<arbitrary>], iteration_bounds = array<i64: 10>, scalar_prefetch = 0 : i64, scratch_operands = 0 : i64, tpu.core_type = #tpu.core_type<tc>, window_params = [{transform_indices = @transform_0, window_bounds = array<i64: 1000, 128>}, {transform_indices = @transform_1, window_bounds = array<i64: 1000, 1>}, {pipeline_mode = #tpu.pipeline_mode<synchronous>, transform_indices = @transform_2, window_bounds = array<i64: 1, 128>}, {transform_indices = @transform_3, window_bounds = array<i64: 1000, 128>}, {transform_indices = @transform_4, window_bounds = array<i64: 1, 1000, 128>}]} {
    %get3A = arith.constant 0 : index
    %get3A_0 = arith.constant 0 : index
    %get3A_1 = vector.load %arg2[%get3A, %get3A_0] : memref<1000x1xf32, #tpu.memory_space<vmem>>, vector<1000x1xf32>
    %max3A = arith.constant 1.000000e+00 : f32
    %max3A_2 = vector.broadcast %max3A : f32 to vector<1000x1xf32>
    %max3A_3 = arith.maximumf %get3A_1, %max3A_2 : vector<1000x1xf32>
    %div3A = arith.constant 1.000000e+00 : f32
    %div3A_4 = vector.broadcast %div3A : f32 to vector<1000x1xf32>
    %div3A_5 = arith.divf %div3A_4, %max3A_3 : vector<1000x1xf32>
    %get3A_6 = arith.constant 0 : index
    %get3A_7 = arith.constant 0 : index
    %get3A_8 = vector.load %arg1[%get3A_6, %get3A_7] : memref<1000x128xf32, #tpu.memory_space<vmem>>, vector<1000x128xf32>
    %mul3A = vector.broadcast %div3A_5 : vector<1000x1xf32> to vector<1000x128xf32>
    %mul3A_9 = arith.mulf %get3A_8, %mul3A : vector<1000x128xf32>
    %get3A_10 = arith.constant 0 : index
    %get3A_11 = arith.constant 0 : index
    %get3A_12 = vector.load %arg3[%get3A_10, %get3A_11] : memref<1x128xf32, #tpu.memory_space<vmem>>, vector<1x128xf32>
    %add3A = vector.broadcast %get3A_12 : vector<1x128xf32> to vector<1000x128xf32>
    %add3A_13 = arith.addf %mul3A_9, %add3A : vector<1000x128xf32>
    %get3A_14 = arith.constant 0 : index
    %get3A_15 = arith.constant 0 : index
    %get3A_16 = vector.load %arg4[%get3A_14, %get3A_15] : memref<1000x128xf32, #tpu.memory_space<vmem>>, vector<1000x128xf32>
    %add3A_17 = arith.addf %add3A_13, %get3A_16 : vector<1000x128xf32>
    %swap3A = arith.constant 0 : index
    %swap3A_18 = arith.constant 0 : index
    %swap3A_19 = arith.constant 0 : index
    %swap3A_20 = vector.load %arg5[%swap3A, %swap3A_18, %swap3A_19] : memref<1x1000x128xf32, #tpu.memory_space<vmem>>, vector<1x1000x128xf32>
    %swap3A_21 = vector.shape_cast %swap3A_20 : vector<1x1000x128xf32> to vector<1000x128xf32>
    %swap3A_22 = vector.shape_cast %add3A_17 : vector<1000x128xf32> to vector<1x1000x128xf32>
    tpu.vector_store %arg5[%swap3A, %swap3A_18, %swap3A_19], %swap3A_22 {strides = array<i32>} : memref<1x1000x128xf32, #tpu.memory_space<vmem>>, vector<1x1000x128xf32>,
    return
  }
  func.func @transform_0(%arg0: i32) -> (i32, i32) {
    %c0_i32 = arith.constant 0 : i32
    %c0_i32_0 = arith.constant 0 : i32
    return %arg0, %c0_i32 : i32, i32
  }
  func.func @transform_1(%arg0: i32) -> (i32, i32) {
    %c0_i32 = arith.constant 0 : i32
    %c0_i32_0 = arith.constant 0 : i32
    return %arg0, %c0_i32 : i32, i32
  }
  func.func @transform_2(%arg0: i32) -> (i32, i32) {
    %c0_i32 = arith.constant 0 : i32
    %c0_i32_0 = arith.constant 0 : i32
    %c0_i32_1 = arith.constant 0 : i32
    return %c0_i32, %c0_i32_0 : i32, i32
  }
  func.func @transform_3(%arg0: i32) -> (i32, i32) {
    %c0_i32 = arith.constant 0 : i32
    %c0_i32_0 = arith.constant 0 : i32
    return %arg0, %c0_i32 : i32, i32
  }
  func.func @transform_4(%arg0: i32) -> (i32, i32, i32) {
    %jit3A = arith.constant 5 : i32
    %div3A = arith.divsi %arg0, %jit3A : i32
    %sign3A = arith.constant 0 : i32
    %sign3A_0 = arith.cmpi sgt, %arg0, %sign3A : i32
    %sign3A_1 = arith.extui %sign3A_0 : i1 to i32
    %sign3A_2 = arith.constant 0 : i32
    %sign3A_3 = arith.cmpi slt, %arg0, %sign3A_2 : i32
    %sign3A_4 = arith.extui %sign3A_3 : i1 to i32
    %sign3A_5 = arith.subi %sign3A_1, %sign3A_4 : i32
    %sign3A_6 = arith.constant 0 : i32
    %sign3A_7 = arith.cmpi sgt, %jit3A, %sign3A_6 : i32
    %sign3A_8 = arith.extui %sign3A_7 : i1 to i32
    %sign3A_9 = arith.constant 0 : i32
    %sign3A_10 = arith.cmpi slt, %jit3A, %sign3A_9 : i32
    %sign3A_11 = arith.extui %sign3A_10 : i1 to i32
    %sign3A_12 = arith.subi %sign3A_8, %sign3A_11 : i32
    %ne3A = arith.cmpi ne, %sign3A_5, %sign3A_12 : i32
    %rem3A = arith.remsi %arg0, %jit3A : i32
    %ne3A_13 = arith.constant 0 : i32
    %ne3A_14 = arith.cmpi ne, %rem3A, %ne3A_13 : i32
    %and3A = arith.andi %ne3A, %ne3A_14 : i1
    %sub3A = arith.constant 1 : i32
    %sub3A_15 = arith.subi %div3A, %sub3A : i32
    %select_n3A = arith.select %and3A, %sub3A_15, %div3A : i32
    %jit3A_16 = arith.constant 5 : i32
    %eq3A = arith.constant 0 : i32
    %eq3A_17 = arith.cmpi eq, %jit3A_16, %eq3A : i32
    %jit3A_18 = arith.constant 1 : i32
    %select_n3A_19 = arith.select %eq3A_17, %jit3A_18, %jit3A_16 : i32
    %rem3A_20 = arith.remsi %arg0, %select_n3A_19 : i32
    %ne3A_21 = arith.constant 0 : i32
    %ne3A_22 = arith.cmpi ne, %rem3A_20, %ne3A_21 : i32
    %lt3A = arith.constant 0 : i32
    %lt3A_23 = arith.cmpi slt, %rem3A_20, %lt3A : i32
    %lt3A_24 = arith.constant 0 : i32
    %lt3A_25 = arith.cmpi slt, %select_n3A_19, %lt3A_24 : i32
    %ne3A_26 = arith.xori %lt3A_23, %lt3A_25 : i1
    %and3A_27 = arith.andi %ne3A_26, %ne3A_22 : i1
    %add3A = arith.addi %rem3A_20, %select_n3A_19 : i32
    %select_n3A_28 = arith.select %and3A_27, %add3A, %rem3A_20 : i32
    %c0_i32 = arith.constant 0 : i32
    %c0_i32_29 = arith.constant 0 : i32
    return %select_n3A, %select_n3A_28, %c0_i32 : i32, i32, i32
  }
}

</mosaic_0001>

<sc_bundles>
// kernel: kernel.12.cloned.1.call-start
scs
__scs_entry_jumppad:
0x0: {  	(pc) =	sbr.rel $0x88, $3  }
0x1: {  	(tag) =	ssettag $0x0;
	lr =	simm.s32 $0x1  }
0x2: {  	[smem:$0x3F98] =	sst lr;
	_ =	strace $0xD0000000  }
0x3: {  	_ = 	snop  }
0x4: {  	_ = 	snop  }
0x5: {  	_ = 	snop  }
0x6: {  	_ = 	snop  }
0x7: {  	_ = 	snop  }
__scs_overlays_trampoline_lowered:
0x8: {  	[smem:$0x3FA7] =	sst s0  }
0x9: {  	[smem:$0x3FA8] =	sst s1  }
0xa: {  	[smem:$0x3FA9] =	sst s2  }
0xb: {  	[smem:$0x3FAA] =	sst s3  }
0xc: {  	[smem:$0x3FAB] =	sst s4  }
0xd: {  	[smem:$0x3FAC] =	sst s5  }
0xe: {  	[smem:$0x3FAD] =	sst s6  }
0xf: {  	[smem:$0x3FAE] =	sst s7  }
0x10: {  	[smem:$0x3FAF] =	sst s8  }
0x11: {  	[smem:$0x3FB0] =	sst s9;
	s0 =	simm.s32 @!p0 $0x0  }
0x12: {  	s1 =	sld [smem:$0x3F96];
	s0 =	simm.s32 @p0 $0x1  }
0x13: {  	[smem:$0x3FB1] =	sst s0;
	s0 =	simm.s32 @!p1 $0x0  }
0x14: {  	s2 =	sld [smem:$0x3F95];
	s0 =	simm.s32 @p1 $0x1  }
0x15: {  	[smem:$0x3FB2] =	sst s0;
	s0 =	simm.s32 @!p2 $0x0  }
0x16: {  	s3 =	sld [smem:$0x3FDB];
	s0 =	simm.s32 @p2 $0x1  }
0x17: {  	s4 =	simm.s32 $0x1BF5;
	[smem:$0x3FB4] =	sst s0  }
0x18: {  	s0 =	sld [smem:$0x3F97];
	_ =	swait.ge [sflag:s4], $0x0  }
0x19: {  	s7 =	sld [smem:$0x3F98]  }
0x1a: {  	s8 =	sadd.s32 $0xFFFFE003, lr  }
0x1b: {  	s9 =	sadd.s32 $0xFFFFFEF7, lr;
	s5 =	simm.s32 $0xFFFFFFFF;
	p2 =	slt.u32 s8, $0xFFFFF086  }
0x1c: {  	p1 =	slt.u32 s9, $0xF7A;
	s5 =	simm.s32 @!p2 $0x0  }
0x1d: {  	s5 =	simm.s32 @p1 $0x1;
	p0 =	seq.s32 s7, s2  }
0x1e: {  	s7 =	smul.u32 @!p0 $0xF7A, s2;
	p2 =	seq.s32 @!p0 s5, $0x0  }
0x1f: {  	s9 =	smul.u32 $0xF7A, s1;
	s8 =	simm.s32 @!p0 $0x1BF5;
	p2 =	por !p2, p0  }
0x20: {  	[sflag:s8] =	ssyncset.s32 @!p0 $0xFFFFF086;
	s6 =	sadd.s32 @!p0 s3, s7;
	s7 =	simm.s32 @!p0 $0x108  }
0x21: {  	s3 =	sadd.s32 s3, s9;
	s6 =	sadd.s32 @!p0 $0x88, s6;
	s7 =	simm.s32 @p2 $0x1082  }
0x22: {  	[simem:s7], [sflag:s8] =	dma.local @!p0 [hbm:s6], $0xF7A  }
0x23: {  	s9 =	sor.u32 $0xD0000000, s2;
	s6 =	simm.s32 $0x108;
	_ =	swait.ge @!p0 [sflag:s8], $0x0  }
0x24: {  	s3 =	sadd.s32 $0x88, s3;
	s6 =	simm.s32 @!p1 $0x1082;
	[sflag:s4] =	ssyncset.s32 $0xFFFFF086  }
0x25: {  	[simem:s6], [sflag:s4] =	dma.local [hbm:s3], $0xF7A  }
0x26: {  	[smem:$0x3F98] =	sst s1;
	(tag) =	ssettag s2;
	_ =	strace s9  }
0x27: {  	s1 =	sld [smem:$0x3FA8]  }
0x28: {  	s2 =	sld [smem:$0x3FA9]  }
0x29: {  	s4 =	sld [smem:$0x3FAB]  }
0x2a: {  	p0 =	seq.s32 s5, $0x0;
	s5 =	sld [smem:$0x3FAC]  }
0x2b: {  	s6 =	sld [smem:$0x3FAD]  }
0x2c: {  	s7 =	sld [smem:$0x3FAE]  }
0x2d: {  	s3 =	simm.s32 $0x108;
	s8 =	sld [smem:$0x3FAF]  }
0x2e: {  	s3 =	simm.s32 @!p0 $0x1082;
	s9 =	sld [smem:$0x3FB0]  }
0x2f: {  	lr =	sadd.s32 s0, s3;
	s0 =	sld [smem:$0x3FA7]  }
0x30: {  	s3 =	sld [smem:$0x3FAA]  }
0x31: {  	[smem:$0x3FB3] =	sst s10  }
0x32: {  	s10 =	sld [smem:$0x3FB1];
	_ =	sdelay $0x3  }
0x33: {  	p0 =	seq.s32 s10, $0x1;
	s10 =	sld [smem:$0x3FB3];
	_ =	sdelay $0x3  }
0x34: {  	[smem:$0x3FB3] =	sst s10  }
0x35: {  	s10 =	sld [smem:$0x3FB2];
	_ =	sdelay $0x3  }
0x36: {  	p1 =	seq.s32 s10, $0x1;
	s10 =	sld [smem:$0x3FB3];
	_ =	sdelay $0x3  }
0x37: {  	[smem:$0x3FB3] =	sst s10  }
0x38: {  	s10 =	sld [smem:$0x3FB4]  }
0x39: {  	_ = 	snop;
	(pc) =	sbr.ind lr, $3  }
0x3a: {  	_ = 	snop  }
0x3b: {  	_ = 	snop  }
0x3c: {  	p2 =	seq.s32 s10, $0x1;
	s10 =	sld [smem:$0x3FB3]  }
0x3d: {  	_ =	shalt  }
0x3e: {  	_ =	shalt  }
0x3f: {  	_ =	shalt  }
0x40: {  	_ =	shalt  }
0x41: {  	_ =	shalt  }
0x42: {  	_ =	shalt  }
0x43: {  	_ =	shalt  }
0x44: {  	_ =	shalt  }
0x45: {  	_ =	shalt  }
0x46: {  	_ =	shalt  }
0x47: {  	_ =	shalt  }
0x48: {  	_ =	shalt  }
0x49: {  	_ =	shalt  }
0x4a: {  	_ =	shalt  }
0x4b: {  	_ =	shalt  }
0x4c: {  	_ =	shalt  }
0x4d: {  	_ =	shalt  }
0x4e: {  	_ =	shalt  }
0x4f: {  	_ =	shalt  }
0x50: {  	_ =	shalt  }
0x51: {  	_ =	shalt  }
0x52: {  	_ =	shalt  }
0x53: {  	_ =	shalt  }
0x54: {  	_ =	shalt  }
0x55: {  	_ =	shalt  }
0x56: {  	_ =	shalt  }
0x57: {  	_ =	shalt  }
0x58: {  	_ =	shalt  }
0x59: {  	_ =	shalt  }
0x5a: {  	_ =	shalt  }
0x5b: {  	_ =	shalt  }
0x5c: {  	_ =	shalt  }
0x5d: {  	_ =	shalt  }
0x5e: {  	_ =	shalt  }
0x5f: {  	_ =	shalt  }
0x60: {  	_ =	shalt  }
0x61: {  	_ =	shalt  }
0x62: {  	_ =	shalt  }
0x63: {  	_ =	shalt  }
0x64: {  	_ =	shalt  }
0x65: {  	_ =	shalt  }
0x66: {  	_ =	shalt  }
0x67: {  	_ =	shalt  }
0x68: {  	_ =	shalt  }
0x69: {  	_ =	shalt  }
0x6a: {  	_ =	shalt  }
0x6b: {  	_ =	shalt  }
0x6c: {  	_ =	shalt  }
0x6d: {  	_ =	shalt  }
0x6e: {  	_ =	shalt  }
0x6f: {  	_ =	shalt  }
0x70: {  	_ =	shalt  }
0x71: {  	_ =	shalt  }
0x72: {  	_ =	shalt  }
0x73: {  	_ =	shalt  }
0x74: {  	_ =	shalt  }
0x75: {  	_ =	shalt  }
0x76: {  	_ =	shalt  }
0x77: {  	_ =	shalt  }
0x78: {  	_ =	shalt  }
0x79: {  	_ =	shalt  }
0x7a: {  	_ =	shalt  }
0x7b: {  	_ =	shalt  }
0x7c: {  	_ =	shalt  }
0x7d: {  	_ =	shalt  }
0x7e: {  	_ =	shalt  }
0x7f: {  	_ =	shalt  }
0x80: {  	_ =	shalt  }
0x81: {  	_ =	shalt  }
0x82: {  	_ =	shalt  }
0x83: {  	_ =	shalt  }
0x84: {  	_ =	shalt  }
0x85: {  	_ =	shalt  }
0x86: {  	_ =	shalt  }
0x87: {  	_ =	shalt  }
.Lfunc_end0:
.L_simem_size_0:
called_computation.1_lowered:
.L_overlay_start_0:
0x88: {  	s2 =	sld [smem:$0x3FD9]  }
0x89: {  	s3 =	sld [smem:$0x3FFE];
	_ =	sdelay $0x1  }
0x8a: {  	s1 =	srdreg.scid  }
0x8b: {  	s0 =	sand.u32 $0x1, s1  }
0x8c: {  	s14 =	sshll.u32 s0, $0xA;
	s2 =	sadd.s32 s3, s2  }
0x8d: {  	s2 =	sadd.s32 s2, s14  }
0x8e: {  	[smem:$0x3FBF] =	sst s2  }
0x8f: {  	_ = 	snop  }
0x90: {  	s2 =	sld [smem:$0x3FD0];
	_ =	sdelay $0x2  }
0x91: {  	s15 =	simm.s32 $0xA;
	s4 =	simm.s32 $0x10  }
0x92: {  	[smem:s4], [sflag:s15] =	dma.local [hbm:s2], $0x1  }
0x93: {  	_ =	swait.eq [sflag:s15], $0x1  }
0x94: {  	[sflag:s15] =	ssyncset.done $0x0  }
0x95: {  	s16 =	sld [smem:$0x10];
	[sflag:s15] =	ssyncadd.s32 $0xFFFFFFFF  }
0x96: {  	s17 =	sld [smem:$0x11];
	(tm) =	ssettm $0x1  }
0x97: {  	s18 =	sld [smem:$0x3FFB];
	_ =	sdelay $0x3  }
0x98: {  	_ =	strace s18  }
0x99: {  	s4 =	sld [smem:$0x3FFC];
	_ =	sdelay $0x3  }
0x9a: {  	_ =	strace s4  }
0x9b: {  	s4 =	sld [smem:$0x3FFD];
	_ =	sdelay $0x3  }
0x9c: {  	_ =	strace s4  }
0x9d: {  	_ =	strace $0x8FFFFFFF  }
0x9e: {  	s19 =	sld [smem:$0x3FDB];
	_ =	sdelay $0x1  }
0x9f: {  	s5 =	simm.s32 $_scs_section_size  }
0xa0: {  	s6 =	simm.s32 $_size__tile_overlayer_lowered;
	s7 =	simm.s32 $_tile_overlayer_lowered  }
0xa1: {  	s22 =	simm.s32 $0x1BFF;
	s21 =	sshll.u32 s7, $0x1;
	s4 =	sadd.s32 s5, s19  }
0xa2: {  	s8 =	simm.s32 $0x0;
	s20 =	sshll.u32 s6, $0x1;
	s6 =	sadd.s32 s21, s4  }
0xa3: {  	[timem:s8], [sflag:s22] =	dma.local [hbm:s6], s20  }
0xa4: {  	_ =	swait.ge [sflag:s22], s20  }
0xa5: {  	s5 =	ssub.s32 $0x0, s20;
	[sflag:s22] =	ssyncset.done $0x0  }
0xa6: {  	[sflag:s22] =	ssyncadd.s32 s5;
	_ =	sdelay $0x1  }
0xa7: {  	s23 =	simm.s32 $0x1B8B  }
0xa8: {  	_ =	swait.ge [sflag:s23], $0x1  }
0xa9: {  	[sflag:s23] =	ssyncset.done $0x0  }
0xaa: {  	s25 =	simm.s32 $0x1B8E;
	s24 =	sld [smem:$0x3FFE];
	[sflag:s23] =	ssyncadd.s32 $0xFFFFFFFF  }
0xab: {  	s26 =	simm.s32 $execute0_lowered;
	[smem:$0x3FD2] =	sst s25  }
0xac: {  	s6 =	sshll.u32 s26, $0x1;
	_ =	strace $0x80000049;
	[dreg:$0x1] =	wrdreg $0xFFFFFFFF  }
0xad: {  	s28 =	simm.s32 $_size_execute0_lowered;
	s4 =	sadd.s32 s4, s6;
	[dreg:$0x0] =	wrdreg $0x0  }
0xae: {  	s6 =	sshll.u32 s28, $0x1;
	[dreg:$0x2] =	wrdreg s4  }
0xaf: {  	[dreg:$0x3] =	wrdreg s6  }
0xb0: {  	[dreg:$0x4] =	wrdreg $0xC0  }
0xb1: {  	_ =	task [dreg:s8], $0x5FFFF  }
0xb2: {  	[dreg:$0x1] =	wrdreg $0xFFFFFFFF  }
0xb3: {  	[dreg:$0x0] =	wrdreg $0x60  }
0xb4: {  	[dreg:$0x2] =	wrdreg s24  }
0xb5: {  	[dreg:$0x3] =	wrdreg s17  }
0xb6: {  	[dreg:$0x4] =	wrdreg s16  }
0xb7: {  	[dreg:$0x5] =	wrdreg $0xB8500  }
0xb8: {  	[dreg:$0x6] =	wrdreg $0x1F5500  }
0xb9: {  	[dreg:$0x7] =	wrdreg $0x155500  }
0xba: {  	[dreg:$0x8] =	wrdreg $0x9  }
0xbb: {  	_ =	task.clear_ibuf [dreg:s8], $0x9FFFF;
	_ =	strace $0x90000049  }
0xbc: {  	s29 =	simm.s32 $0x9;
	_ =	strace $0x8000004B  }
0xbd: {  	_ =	swait.ge [sflag:s29], $0x1  }
0xbe: {  	[sflag:s29] =	ssyncadd.s32 $0xFFFFFFFF  }
0xbf: {  	_ =	strace $0x9000004B  }
0xc0: {  	_ =	sfence  }
0xc1: {  	s30 =	sld [smem:$0x0];
	_ =	sdelay $0x2  }
0xc2: {  	s31 =	sshll.u32 s1, $0xD;
	s1 =	sshrl.u32 s1, $0x2  }
0xc3: {  	s3 =	sand.u32 $0x4000, s31;
	s1 =	sadd.s32 s1, s30  }
0xc4: {  	s0 =	sor.u32 s3, s0;
	s1 =	sshll.u32 s1, $0x11  }
0xc5: {  	s0 =	sor.u32 s1, s0  }
0xc6: {  	s0 =	sadd.s32 $0x8F2B, s0  }
0xc7: {  	[sflag:s0] =	ssyncadd.remote.s32 $0x1  }
0xc8: {  	_ =	sfence.sel $0xFFFF  }
0xc9: {  	[dreg:$0x0] =	wrdreg $0xFFFFFFFF;
	(pc) =	sbr.abs _section_cstart, $3  }
0xca: {  	[dreg:$0x1] =	wrdreg $0xFFFFFFFF  }
0xcb: {  	_ =	task.clear_ibuf [dreg:s8], $0x2FFFF;
	_ =	strace $0x9FFFFFFF  }
0xcc: {  	(tm) =	ssettm $0x7FFFFFFF  }
0xcd: {  	_ =	shalt  }
tec
execute0_lowered:
.L_overlay_start_1:
0x0: {  	(tag) =	ssettag $0x1  }
0x1: {  	s3 =	rddreg [dreg:$0x0]  }
0x2: {  	s0 =	rddreg [dreg:$0x1]  }
0x3: {  	s1 =	rddreg [dreg:$0x2]  }
0x4: {  	s2 =	rddreg [dreg:$0x3]  }
0x5: {  	s15 =	rddreg [dreg:$0x4];
	s4 =	srdreg.scid  }
0x6: {  	s6 =	stileid.u32;
	s5 =	rddreg [dreg:$0x5]  }
0x7: {  	s9 =	simm.s32 $0x0;
	s28 =	simm.s32 $0x2800;
	s29 =	simm.s32 $0x80  }
0x8: {  	s30 =	simm.s32 $0x7000;
	s31 =	simm.s32 $0x9000;
	s7 =	smul.u32 $0x13880, s6  }
0x9: {  	s4 =	sand.u32 $0x1, s4;
	[smem:$0x7FF] =	sst s9;
	s16 =	smul.u32 $0x14000, s6  }
0xa: {  	s10 =	sadd.s32 $0x29E00, s3;
	s11 =	sadd.s32 $0x2A400, s3;
	s18 =	smul.u32 $0x27100, s6  }
0xb: {  	s19 =	smul.u32 $0x28000, s6;
	s22 =	sshll.u32 s6, $0x6;
	p0 =	sne.s32 s6, $0x0  }
0xc: {  	s8 =	sshll.u32 s4, $0x6;
	_ =	strace $0x8000004A;
	[dreg:$0x7] =	wrdreg s10  }
0xd: {  	s17 =	smul.u32 $0x500, s4;
	[dreg:$0x8] =	wrdreg s11;
	s4 =	ssub.s32 $0x2, s4  }
0xe: {  	s11 =	sor.u32 $0x1C05, s22;
	s22 =	simm.s32 $0x8;
	s7 =	sor.u32 s8, s7  }
0xf: {  	s8 =	sor.u32 s8, s16;
	s20 =	sshrl.u32 s4, $0x1;
	s9 =	sshrl.u32 s18, $0x2  }
0x10: {  	s21 =	sshrl.u32 s19, $0x2;
	s16 =	smul.u32 $0x5000, s6;
	s6 =	simm.s32 $0x3  }
0x11: {  	s7 =	sshrl.u32 s7, $0x3;
	s8 =	sshrl.u32 s8, $0x3;
	s4 =	ssub.s32 s4, s20  }
0x12: {  	s12 =	sadd.s32 s9, s2;
	s9 =	sadd.s32 s21, s5;
	s21 =	simm.s32 $0x1  }
0x13: {  	s7 =	sadd.s32 s7, s3;
	s8 =	sadd.s32 s8, s3;
	s23 =	sadd.s32 $0x2000, s9  }
0x14: {  	s3 =	sadd.s32 s17, s3;
	s24 =	sadd.s32 $0x4000, s9;
	[dreg:$0xa] =	wrdreg s23  }
0x15: {  	s25 =	sadd.s32 $0x6000, s9;
	s26 =	sadd.s32 $0x8000, s9;
	[dreg:$0xb] =	wrdreg s24  }
0x16: {  	s19 =	smax.u32 s4, $0x1;
	s20 =	sshrl.u32 s12, $0x3;
	[dreg:$0xc] =	wrdreg s25  }
0x17: {  	s4 =	simm.s32 $0x2;
	s7 =	sadd.s32 $0x2C00, s7;
	[dreg:$0xd] =	wrdreg s26  }
0x18: {  	s17 =	sadd.s32 $0x2B000, s8;
	s18 =	sadd.s32 $0x2A600, s3;
	s23 =	simm.s32 $0x10  }
0x19: {  	s24 =	simm.s32 $0x5;
	s25 =	simm.s32 $0xB800;
	s26 =	simm.s32 $0x5000  }
0x1a: {  	v0 =	vimm.f32 $0.0e+00;
	v1 =	vimm.f32 $1.000000000e+00;
	s3 =	simm.s32 $0x4;
	[dreg:$0x9] =	wrdreg s7;
	s7 =	simm.s32 $0x0  }
.LBB2_1:
0x1b: {  	s8 =	rddreg [dreg:$0x9]  }
0x1c: {  	[spmem:s20@s22], [sflag:s11] =	dma.strided [hbm:s8@s23], $0x1388, s21, $0x8   }
0x1d: {  	_ =	swait.ge [sflag:s24], $0x1388  }
0x1e: {  	[sflag:s24] =	ssyncset.done $0x0  }
0x1f: {  	s14 =	simm.s32 $0x0;
	s10 =	rddreg [dreg:$0x8];
	[sflag:s24] =	ssyncadd.s32 $0xFFFFEC78  }
0x20: {  	[tilespmem:s25], [sflag:$0x5] =	stream.linear.gather [hbm4b:s10+s14], $0x50, $0x38;
	[tilespmem:$0x1F7D0] =	vst v63  }
0x21: {  	_ =	swait.ge [sflag:s24], $0x50  }
0x22: {  	[sflag:s24] =	ssyncset.done $0x0  }
0x23: {  	s8 =	sshrl.u32 @!p0 s15, $0x3;
	s10 =	rddreg [dreg:$0x7];
	[sflag:s24] =	ssyncadd.s32 $0xFFFFFFB0  }
0x24: {  	[spmem:s8], [sflag:s11] =	dma.local @!p0 [hbm:s10], $0x500  }
0x25: {  	s10 =	simm.s32 @!p0 $0x5  }
0x26: {  	_ =	swait.ge @!p0 [sflag:s10], $0x500  }
0x27: {  	[sflag:s10] =	ssyncset.done @!p0 $0x0  }
0x28: {  	[sflag:s10] =	ssyncadd.s32 @!p0 $0xFFFFFB00;
	s10 =	simm.s32 $0x0  }
.LBB2_2:
0x29: {  	p1 =	sne.s32 s10, $0x7F00  }
.Ltmp0:
0x2a: {  	s12 =	sshra.s32 s10, $0x2;
	(pc) =	sbr.rel @p1 .LBB2_2-.Ltmp0, $4  }
0x2b: {  	[tilespmem:s12+$0x5000] =	vst v0  }
0x2c: {  	[tilespmem:s12+$0x5010] =	vst v0  }
0x2d: {  	[tilespmem:s12+$0x5020] =	vst v0  }
0x2e: {  	s10 =	sadd.s32 $0x100, s10;
	[tilespmem:s12+$0x5030] =	vst v0  }
0x2f: {  	s10 =	simm.s32 $0x0;
	s12 =	simm.s32 $0x200  }
.LBB2_4:
0x30: {  	p1 =	sne.s32 s12, $0x9E00;
	[tilespmem:s10+$0x9070] =	vst v0  }
0x31: {  	[tilespmem:s10+$0x9000] =	vst v0  }
0x32: {  	[tilespmem:s10+$0x9010] =	vst v0  }
.Ltmp1:
0x33: {  	[tilespmem:s10+$0x9020] =	vst v0;
	(pc) =	sbr.rel @p1 .LBB2_4-.Ltmp1, $4  }
0x34: {  	[tilespmem:s10+$0x9030] =	vst v0  }
0x35: {  	[tilespmem:s10+$0x9040] =	vst v0  }
0x36: {  	[tilespmem:s10+$0x9050] =	vst v0  }
0x37: {  	[tilespmem:s10+$0x9060] =	vst v0;
	s10 =	sshra.s32 s12, $0x2;
	s12 =	sadd.s32 $0x200, s12  }
0x38: {  	[tilespmem:s10+$0x9070] =	vst v0  }
0x39: {  	[tilespmem:s10+$0x9000] =	vst v0  }
0x3a: {  	[tilespmem:s10+$0x9010] =	vst v0  }
0x3b: {  	[tilespmem:s10+$0x9020] =	vst v0  }
0x3c: {  	[tilespmem:s10+$0x9030] =	vst v0  }
0x3d: {  	[tilespmem:s10+$0x9040] =	vst v0  }
0x3e: {  	[tilespmem:s10+$0x9050] =	vst v0  }
0x3f: {  	[tilespmem:s10+$0x9060] =	vst v0  }
0x40: {  	[spmem:s9] =	stream.linear.scatter [tilespmem:s26], [sflag:$0x5], $0x2000, $0x38;
	[tilespmem:$0x1F7D0] =	vst v63  }
0x41: {  	_ =	swait.ge [sflag:s24], $0x2000  }
0x42: {  	[sflag:s24] =	ssyncset.done $0x0  }
0x43: {  	s14 =	rddreg [dreg:$0xa];
	[sflag:s24] =	ssyncadd.s32 $0xFFFFE000  }
0x44: {  	[spmem:s14] =	stream.linear.scatter [tilespmem:s26], [sflag:$0x5], $0x2000, $0x38;
	[tilespmem:$0x1F7D0] =	vst v63  }
0x45: {  	_ =	swait.ge [sflag:s24], $0x2000  }
0x46: {  	[sflag:s24] =	ssyncset.done $0x0  }
0x47: {  	s12 =	rddreg [dreg:$0xb];
	[sflag:s24] =	ssyncadd.s32 $0xFFFFE000  }
0x48: {  	[spmem:s12] =	stream.linear.scatter [tilespmem:s26], [sflag:$0x5], $0x2000, $0x38;
	[tilespmem:$0x1F7D0] =	vst v63  }
0x49: {  	_ =	swait.ge [sflag:s24], $0x2000  }
0x4a: {  	[sflag:s24] =	ssyncset.done $0x0  }
0x4b: {  	s13 =	rddreg [dreg:$0xc];
	[sflag:s24] =	ssyncadd.s32 $0xFFFFE000  }
0x4c: {  	[spmem:s13] =	stream.linear.scatter [tilespmem:s26], [sflag:$0x5], $0x2000, $0x38;
	[tilespmem:$0x1F7D0] =	vst v63  }
0x4d: {  	_ =	swait.ge [sflag:s24], $0x2000  }
0x4e: {  	[sflag:s24] =	ssyncset.done $0x0  }
0x4f: {  	s14 =	rddreg [dreg:$0xd];
	[sflag:s24] =	ssyncadd.s32 $0xFFFFE000  }
0x50: {  	[spmem:s14] =	stream.linear.scatter [tilespmem:s26], [sflag:$0x5], $0x2000, $0x38;
	[tilespmem:$0x1F7D0] =	vst v63  }
0x51: {  	_ =	swait.ge [sflag:s24], $0x2000  }
0x52: {  	[sflag:s24] =	ssyncset.done $0x0  }
0x53: {  	s10 =	simm.s32 $0x0;
	[sflag:s24] =	ssyncadd.s32 $0xFFFFE000  }
0x54: {  	p2 =	por $0x1, $0x1;
	s12 =	simm.s32 $0x0;
	[bflag:$0x0] =	sbarrier.arrive $0xFFFF  }
.LBB2_6:
0x55: {  	s12 =	sadd.s32 s16, s12  }
0x56: {  	s12 =	sshrl.u32 s12, $0x3  }
0x57: {  	s13 =	sadd.s32 s0, s12  }
0x58: {  	[tilespmem:s10], [sflag:$0x5] =	stream.linear.gather [hbm4b:s13+s10], $0x2800, $0x38;
	[tilespmem:$0x1F7D0] =	vst v63  }
0x59: {  	_ =	swait.ge [sflag:s24], $0x2800  }
0x5a: {  	[sflag:s24] =	ssyncset.done $0x0  }
0x5b: {  	s12 =	sadd.s32 s1, s12;
	[sflag:s24] =	ssyncadd.s32 $0xFFFFD800  }
0x5c: {  	[tilespmem:s28], [sflag:$0x5] =	stream.linear.gather [hbm4b:s12+s10], $0x2800, $0x38;
	[tilespmem:$0x1F7D0] =	vst v63  }
0x5d: {  	_ =	swait.ge [sflag:s24], $0x2800  }
0x5e: {  	[sflag:s24] =	ssyncset.done $0x0  }
0x5f: {  	p1 =	por p2, p2;
	s12 =	simm.s32 $0x0;
	[sflag:s24] =	ssyncadd.s32 $0xFFFFD800  }
.LBB2_7:
0x60: {  	s13 =	sshra.s32 s12, $0x2  }
0x61: {  	[tilespmem:s26], [sflag:$0x1] =	stream.indirect.gather [spmem:s2], $0x40, s13, s29, $0xb8;
	[tilespmem:$0x1F7D0] =	vst v63  }
0x62: {  	s14 =	sadd.s32 $0x80, s13  }
0x63: {  	[tilespmem:s30], [sflag:$0x2] =	stream.indirect.gather [spmem:s2], $0x40, s14, s29, $0xb8;
	[tilespmem:$0x1F7D0] =	vst v63  }
0x64: {  	v2 =	vld [tilespmem:s13+$0x2800];
	_ =	sdelay $0x7  }
0x65: {  	[tilespmem:v2+s31+$0x0] =	vst.idx.add.f32.msk $0xffff, v1  }
0x66: {  	v2 =	vld [tilespmem:s13+$0x2810];
	_ =	sdelay $0x7  }
0x67: {  	[tilespmem:v2+s31+$0x0] =	vst.idx.add.f32.msk $0xffff, v1  }
0x68: {  	v2 =	vld [tilespmem:s13+$0x2820];
	_ =	sdelay $0x7  }
0x69: {  	[tilespmem:v2+s31+$0x0] =	vst.idx.add.f32.msk $0xffff, v1  }
0x6a: {  	v2 =	vld [tilespmem:s13+$0x2830];
	_ =	sdelay $0x7  }
0x6b: {  	[tilespmem:v2+s31+$0x0] =	vst.idx.add.f32.msk $0xffff, v1  }
0x6c: {  	v2 =	vld [tilespmem:s13+$0x2840];
	_ =	sdelay $0x7  }
0x6d: {  	[tilespmem:v2+s31+$0x0] =	vst.idx.add.f32.msk $0xffff, v1  }
0x6e: {  	v2 =	vld [tilespmem:s13+$0x2850];
	_ =	sdelay $0x7  }
0x6f: {  	[tilespmem:v2+s31+$0x0] =	vst.idx.add.f32.msk $0xffff, v1  }
0x70: {  	v2 =	vld [tilespmem:s13+$0x2860];
	_ =	sdelay $0x7  }
0x71: {  	[tilespmem:v2+s31+$0x0] =	vst.idx.add.f32.msk $0xffff, v1  }
0x72: {  	v2 =	vld [tilespmem:s13+$0x2870];
	_ =	sdelay $0x7  }
0x73: {  	[tilespmem:v2+s31+$0x0] =	vst.idx.add.f32.msk $0xffff, v1  }
0x74: {  	v2 =	vld [tilespmem:s13+$0x2880];
	_ =	sdelay $0x7  }
0x75: {  	[tilespmem:v2+s31+$0x0] =	vst.idx.add.f32.msk $0xffff, v1  }
0x76: {  	v2 =	vld [tilespmem:s13+$0x2890];
	_ =	sdelay $0x7  }
0x77: {  	[tilespmem:v2+s31+$0x0] =	vst.idx.add.f32.msk $0xffff, v1  }
0x78: {  	v2 =	vld [tilespmem:s13+$0x28A0];
	_ =	sdelay $0x7  }
0x79: {  	[tilespmem:v2+s31+$0x0] =	vst.idx.add.f32.msk $0xffff, v1  }
0x7a: {  	v2 =	vld [tilespmem:s13+$0x28B0];
	_ =	sdelay $0x7  }
0x7b: {  	[tilespmem:v2+s31+$0x0] =	vst.idx.add.f32.msk $0xffff, v1  }
0x7c: {  	v2 =	vld [tilespmem:s13+$0x28C0];
	_ =	sdelay $0x7  }
0x7d: {  	[tilespmem:v2+s31+$0x0] =	vst.idx.add.f32.msk $0xffff, v1  }
0x7e: {  	v2 =	vld [tilespmem:s13+$0x28D0];
	_ =	sdelay $0x7  }
0x7f: {  	[tilespmem:v2+s31+$0x0] =	vst.idx.add.f32.msk $0xffff, v1  }
0x80: {  	v2 =	vld [tilespmem:s13+$0x28E0];
	_ =	sdelay $0x7  }
0x81: {  	[tilespmem:v2+s31+$0x0] =	vst.idx.add.f32.msk $0xffff, v1  }
0x82: {  	v2 =	vld [tilespmem:s13+$0x28F0];
	_ =	sdelay $0x7  }
0x83: {  	[tilespmem:v2+s31+$0x0] =	vst.idx.add.f32.msk $0xffff, v1  }
0x84: {  	_ =	swait.ge [sflag:s21], $0x2000  }
0x85: {  	[sflag:s21] =	ssyncset.done $0x0  }
0x86: {  	s14 =	sadd.s32 $0x2800, s13;
	[sflag:s21] =	ssyncadd.s32 $0xFFFFE000  }
0x87: {  	[spmem:s5] =	stream.indirect.scatter.add.f32 [tilespmem:s26], [sflag:$0x3], $0x40, s14, s29, $0xb8;
	[tilespmem:$0x1F7D0] =	vst v63  }
0x88: {  	_ =	swait.ge [sflag:s4], $0x2000  }
0x89: {  	[sflag:s4] =	ssyncset.done $0x0  }
0x8a: {  	s13 =	sadd.s32 $0x2880, s13;
	[sflag:s4] =	ssyncadd.s32 $0xFFFFE000  }
0x8b: {  	[spmem:s5] =	stream.indirect.scatter.add.f32 [tilespmem:s30], [sflag:$0x4], $0x40, s13, s29, $0xb8;
	[tilespmem:$0x1F7D0] =	vst v63  }
0x8c: {  	p2 =	sne.s32 s12, $0x9C00;
	_ =	swait.ge [sflag:s6], $0x2000  }
.Ltmp2:
0x8d: {  	[sflag:s6] =	ssyncset.done $0x0;
	(pc) =	sbr.rel @p2 .LBB2_7-.Ltmp2, $4  }
0x8e: {  	[sflag:s6] =	ssyncadd.s32 $0xFFFFE000  }
0x8f: {  	_ =	swait.ge [sflag:s3], $0x2000  }
0x90: {  	[sflag:s3] =	ssyncset.done $0x0  }
0x91: {  	s12 =	sadd.s32 $0x400, s12;
	[sflag:s3] =	ssyncadd.s32 $0xFFFFE000  }
.Ltmp3:
0x92: {  	(pc) =	sbr.rel @p1 .LBB2_6-.Ltmp3, $2  }
0x93: {  	_ =	sdelay $0x2  }
0x94: {  	s12 =	simm.s32 $0x2800;
	p2 =	por $0x0, $0x0  }
0x95: {  	s10 =	simm.s32 $0x50  }
0x96: {  	[spmem:s15] =	stream.indirect.scatter.add.f32 [tilespmem:s31], [sflag:$0x5], $0x80, s25, s10, $0xb8;
	[tilespmem:$0x1F7D0] =	vst v63  }
0x97: {  	_ =	swait.ge [sflag:s24], $0x2800  }
0x98: {  	[sflag:s24] =	ssyncset.done $0x0  }
0x99: {  	[sflag:s24] =	ssyncadd.s32 $0xFFFFD800  }
0x9a: {  	s14 =	sshrl.u32 s9, $0x3;
	[bflag:$0x0] =	sbarrier.arrive $0xFFFF  }
0x9b: {  	[hbm:s17@s23], [sflag:s11] =	dma.strided [spmem:s14@s22], $0x1400, s21, $0x8   }
0x9c: {  	_ =	swait.ge [sflag:s24], $0x1400  }
0x9d: {  	s7 =	sadd.s32 $0x1, s7;
	[sflag:s24] =	ssyncset.done $0x0  }
0x9e: {  	p1 =	sne.s32 s7, s19;
	[sflag:s24] =	ssyncadd.s32 $0xFFFFEC00  }
0x9f: {  	[hbm:s18], [sflag:s11] =	dma.local @!p0 [spmem:s8], $0x500  }
.Ltmp4:
0xa0: {  	_ = 	snop;
	(pc) =	sbr.rel @p1 .LBB2_1-.Ltmp4, $4  }
0xa1: {  	s8 =	simm.s32 @!p0 $0x5  }
0xa2: {  	_ =	swait.ge @!p0 [sflag:s8], $0x500  }
0xa3: {  	[sflag:s8] =	ssyncset.done @!p0 $0x0  }
0xa4: {  	[sflag:s8] =	ssyncadd.s32 @!p0 $0xFFFFFB00  }
0xa5: {  	_ =	sfence.sel $0x180000  }
0xa6: {  	[bflag:$0x0] =	sbarrier.arrive $0xFFFF  }
0xa7: {  	_ =	strace $0x9000004A  }
0xa8: {  	[bflag:$0x2] =	sbarrier.arrive $0xFFFF  }
0xa9: {  	s0 =	rddreg [dreg:$0x6]  }
0xaa: {  	s0 =	sadd.s32 @!p0 $0x100000, s0  }
0xab: {  	[sflag:s0] =	ssyncadd.tile.s32 @!p0 $0x1;
	_ =	shalt  }
.Lfunc_end2:
_tile_overlayer_lowered:
.L_overlay_start_2:
0xac: {  	(tag) =	ssettag $0x2  }
0xad: {  	s0 =	rddreg [dreg:$0x0];
	s2 =	stileid.u32  }
0xae: {  	s1 =	rddreg [dreg:$0x1];
	p0 =	sne.s32 s2, $0x0  }
0xaf: {  	s3 =	rddreg [dreg:$0x2];
	[bflag:$0x3] =	sbarrier.arrive $0xFFFF;
	s2 =	simm.s32 @!p0 $0x1C05  }
0xb0: {  	[timem:s3], [sflag:s2] =	dma.local @!p0 [hbm:s0], s1  }
0xb1: {  	s0 =	simm.s32 @!p0 $0x5  }
0xb2: {  	_ =	swait.ge @!p0 [sflag:s0], s1  }
0xb3: {  	s1 =	ssub.s32 @!p0 $0x0, s1;
	[sflag:s0] =	ssyncset.done @!p0 $0x0  }
0xb4: {  	[sflag:s0] =	ssyncadd.s32 @!p0 s1  }
0xb5: {  	[bflag:$0x3] =	sbarrier.arrive $0xFFFF  }
0xb6: {  	_ =	shalt  }

// kernel: kernel.9.cloned.1.call-start
scs
__scs_entry_jumppad:
0x0: {  	(pc) =	sbr.rel $0x88, $3  }
0x1: {  	(tag) =	ssettag $0x0;
	lr =	simm.s32 $0x1  }
0x2: {  	[smem:$0x3F98] =	sst lr;
	_ =	strace $0xD0000000  }
0x3: {  	_ = 	snop  }
0x4: {  	_ = 	snop  }
0x5: {  	_ = 	snop  }
0x6: {  	_ = 	snop  }
0x7: {  	_ = 	snop  }
__scs_overlays_trampoline_lowered:
0x8: {  	[smem:$0x3FA7] =	sst s0  }
0x9: {  	[smem:$0x3FA8] =	sst s1  }
0xa: {  	[smem:$0x3FA9] =	sst s2  }
0xb: {  	[smem:$0x3FAA] =	sst s3  }
0xc: {  	[smem:$0x3FAB] =	sst s4  }
0xd: {  	[smem:$0x3FAC] =	sst s5  }
0xe: {  	[smem:$0x3FAD] =	sst s6  }
0xf: {  	[smem:$0x3FAE] =	sst s7  }
0x10: {  	[smem:$0x3FAF] =	sst s8  }
0x11: {  	[smem:$0x3FB0] =	sst s9;
	s0 =	simm.s32 @!p0 $0x0  }
0x12: {  	s1 =	sld [smem:$0x3F96];
	s0 =	simm.s32 @p0 $0x1  }
0x13: {  	[smem:$0x3FB1] =	sst s0;
	s0 =	simm.s32 @!p1 $0x0  }
0x14: {  	s2 =	sld [smem:$0x3F95];
	s0 =	simm.s32 @p1 $0x1  }
0x15: {  	[smem:$0x3FB2] =	sst s0;
	s0 =	simm.s32 @!p2 $0x0  }
0x16: {  	s3 =	sld [smem:$0x3FDB];
	s0 =	simm.s32 @p2 $0x1  }
0x17: {  	s4 =	simm.s32 $0x1BF5;
	[smem:$0x3FB4] =	sst s0  }
0x18: {  	s0 =	sld [smem:$0x3F97];
	_ =	swait.ge [sflag:s4], $0x0  }
0x19: {  	s7 =	sld [smem:$0x3F98]  }
0x1a: {  	s8 =	sadd.s32 $0xFFFFE003, lr  }
0x1b: {  	s9 =	sadd.s32 $0xFFFFFEF7, lr;
	s5 =	simm.s32 $0xFFFFFFFF;
	p2 =	slt.u32 s8, $0xFFFFF086  }
0x1c: {  	p1 =	slt.u32 s9, $0xF7A;
	s5 =	simm.s32 @!p2 $0x0  }
0x1d: {  	s5 =	simm.s32 @p1 $0x1;
	p0 =	seq.s32 s7, s2  }
0x1e: {  	s7 =	smul.u32 @!p0 $0xF7A, s2;
	p2 =	seq.s32 @!p0 s5, $0x0  }
0x1f: {  	s9 =	smul.u32 $0xF7A, s1;
	s8 =	simm.s32 @!p0 $0x1BF5;
	p2 =	por !p2, p0  }
0x20: {  	[sflag:s8] =	ssyncset.s32 @!p0 $0xFFFFF086;
	s6 =	sadd.s32 @!p0 s3, s7;
	s7 =	simm.s32 @!p0 $0x108  }
0x21: {  	s3 =	sadd.s32 s3, s9;
	s6 =	sadd.s32 @!p0 $0x88, s6;
	s7 =	simm.s32 @p2 $0x1082  }
0x22: {  	[simem:s7], [sflag:s8] =	dma.local @!p0 [hbm:s6], $0xF7A  }
0x23: {  	s9 =	sor.u32 $0xD0000000, s2;
	s6 =	simm.s32 $0x108;
	_ =	swait.ge @!p0 [sflag:s8], $0x0  }
0x24: {  	s3 =	sadd.s32 $0x88, s3;
	s6 =	simm.s32 @!p1 $0x1082;
	[sflag:s4] =	ssyncset.s32 $0xFFFFF086  }
0x25: {  	[simem:s6], [sflag:s4] =	dma.local [hbm:s3], $0xF7A  }
0x26: {  	[smem:$0x3F98] =	sst s1;
	(tag) =	ssettag s2;
	_ =	strace s9  }
0x27: {  	s1 =	sld [smem:$0x3FA8]  }
0x28: {  	s2 =	sld [smem:$0x3FA9]  }
0x29: {  	s4 =	sld [smem:$0x3FAB]  }
0x2a: {  	p0 =	seq.s32 s5, $0x0;
	s5 =	sld [smem:$0x3FAC]  }
0x2b: {  	s6 =	sld [smem:$0x3FAD]  }
0x2c: {  	s7 =	sld [smem:$0x3FAE]  }
0x2d: {  	s3 =	simm.s32 $0x108;
	s8 =	sld [smem:$0x3FAF]  }
0x2e: {  	s3 =	simm.s32 @!p0 $0x1082;
	s9 =	sld [smem:$0x3FB0]  }
0x2f: {  	lr =	sadd.s32 s0, s3;
	s0 =	sld [smem:$0x3FA7]  }
0x30: {  	s3 =	sld [smem:$0x3FAA]  }
0x31: {  	[smem:$0x3FB3] =	sst s10  }
0x32: {  	s10 =	sld [smem:$0x3FB1];
	_ =	sdelay $0x3  }
0x33: {  	p0 =	seq.s32 s10, $0x1;
	s10 =	sld [smem:$0x3FB3];
	_ =	sdelay $0x3  }
0x34: {  	[smem:$0x3FB3] =	sst s10  }
0x35: {  	s10 =	sld [smem:$0x3FB2];
	_ =	sdelay $0x3  }
0x36: {  	p1 =	seq.s32 s10, $0x1;
	s10 =	sld [smem:$0x3FB3];
	_ =	sdelay $0x3  }
0x37: {  	[smem:$0x3FB3] =	sst s10  }
0x38: {  	s10 =	sld [smem:$0x3FB4]  }
0x39: {  	_ = 	snop;
	(pc) =	sbr.ind lr, $3  }
0x3a: {  	_ = 	snop  }
0x3b: {  	_ = 	snop  }
0x3c: {  	p2 =	seq.s32 s10, $0x1;
	s10 =	sld [smem:$0x3FB3]  }
0x3d: {  	_ =	shalt  }
0x3e: {  	_ =	shalt  }
0x3f: {  	_ =	shalt  }
0x40: {  	_ =	shalt  }
0x41: {  	_ =	shalt  }
0x42: {  	_ =	shalt  }
0x43: {  	_ =	shalt  }
0x44: {  	_ =	shalt  }
0x45: {  	_ =	shalt  }
0x46: {  	_ =	shalt  }
0x47: {  	_ =	shalt  }
0x48: {  	_ =	shalt  }
0x49: {  	_ =	shalt  }
0x4a: {  	_ =	shalt  }
0x4b: {  	_ =	shalt  }
0x4c: {  	_ =	shalt  }
0x4d: {  	_ =	shalt  }
0x4e: {  	_ =	shalt  }
0x4f: {  	_ =	shalt  }
0x50: {  	_ =	shalt  }
0x51: {  	_ =	shalt  }
0x52: {  	_ =	shalt  }
0x53: {  	_ =	shalt  }
0x54: {  	_ =	shalt  }
0x55: {  	_ =	shalt  }
0x56: {  	_ =	shalt  }
0x57: {  	_ =	shalt  }
0x58: {  	_ =	shalt  }
0x59: {  	_ =	shalt  }
0x5a: {  	_ =	shalt  }
0x5b: {  	_ =	shalt  }
0x5c: {  	_ =	shalt  }
0x5d: {  	_ =	shalt  }
0x5e: {  	_ =	shalt  }
0x5f: {  	_ =	shalt  }
0x60: {  	_ =	shalt  }
0x61: {  	_ =	shalt  }
0x62: {  	_ =	shalt  }
0x63: {  	_ =	shalt  }
0x64: {  	_ =	shalt  }
0x65: {  	_ =	shalt  }
0x66: {  	_ =	shalt  }
0x67: {  	_ =	shalt  }
0x68: {  	_ =	shalt  }
0x69: {  	_ =	shalt  }
0x6a: {  	_ =	shalt  }
0x6b: {  	_ =	shalt  }
0x6c: {  	_ =	shalt  }
0x6d: {  	_ =	shalt  }
0x6e: {  	_ =	shalt  }
0x6f: {  	_ =	shalt  }
0x70: {  	_ =	shalt  }
0x71: {  	_ =	shalt  }
0x72: {  	_ =	shalt  }
0x73: {  	_ =	shalt  }
0x74: {  	_ =	shalt  }
0x75: {  	_ =	shalt  }
0x76: {  	_ =	shalt  }
0x77: {  	_ =	shalt  }
0x78: {  	_ =	shalt  }
0x79: {  	_ =	shalt  }
0x7a: {  	_ =	shalt  }
0x7b: {  	_ =	shalt  }
0x7c: {  	_ =	shalt  }
0x7d: {  	_ =	shalt  }
0x7e: {  	_ =	shalt  }
0x7f: {  	_ =	shalt  }
0x80: {  	_ =	shalt  }
0x81: {  	_ =	shalt  }
0x82: {  	_ =	shalt  }
0x83: {  	_ =	shalt  }
0x84: {  	_ =	shalt  }
0x85: {  	_ =	shalt  }
0x86: {  	_ =	shalt  }
0x87: {  	_ =	shalt  }
.Lfunc_end0:
.L_simem_size_0:
called_computation_lowered:
.L_overlay_start_0:
0x88: {  	s2 =	sld [smem:$0x3FD9]  }
0x89: {  	s3 =	sld [smem:$0x3FFE];
	_ =	sdelay $0x1  }
0x8a: {  	s1 =	srdreg.scid  }
0x8b: {  	s0 =	sand.u32 $0x1, s1  }
0x8c: {  	s14 =	sshll.u32 s0, $0xA;
	s2 =	sadd.s32 s3, s2  }
0x8d: {  	s2 =	sadd.s32 s2, s14  }
0x8e: {  	[smem:$0x3FBF] =	sst s2  }
0x8f: {  	_ = 	snop  }
0x90: {  	s2 =	sld [smem:$0x3FD0];
	_ =	sdelay $0x2  }
0x91: {  	s15 =	simm.s32 $0xA;
	s4 =	simm.s32 $0x10  }
0x92: {  	[smem:s4], [sflag:s15] =	dma.local [hbm:s2], $0x1  }
0x93: {  	_ =	swait.eq [sflag:s15], $0x1  }
0x94: {  	[sflag:s15] =	ssyncset.done $0x0  }
0x95: {  	s16 =	sld [smem:$0x10];
	[sflag:s15] =	ssyncadd.s32 $0xFFFFFFFF  }
0x96: {  	s17 =	sld [smem:$0x11];
	(tm) =	ssettm $0x1  }
0x97: {  	s18 =	sld [smem:$0x3FFB];
	_ =	sdelay $0x3  }
0x98: {  	_ =	strace s18  }
0x99: {  	s4 =	sld [smem:$0x3FFC];
	_ =	sdelay $0x3  }
0x9a: {  	_ =	strace s4  }
0x9b: {  	s4 =	sld [smem:$0x3FFD];
	_ =	sdelay $0x3  }
0x9c: {  	_ =	strace s4  }
0x9d: {  	_ =	strace $0x8FFFFFFF  }
0x9e: {  	s19 =	sld [smem:$0x3FDB];
	_ =	sdelay $0x1  }
0x9f: {  	s5 =	simm.s32 $_scs_section_size  }
0xa0: {  	s6 =	simm.s32 $_size__tile_overlayer_lowered;
	s7 =	simm.s32 $_tile_overlayer_lowered  }
0xa1: {  	s22 =	simm.s32 $0x1BFF;
	s21 =	sshll.u32 s7, $0x1;
	s4 =	sadd.s32 s5, s19  }
0xa2: {  	s8 =	simm.s32 $0x0;
	s20 =	sshll.u32 s6, $0x1;
	s6 =	sadd.s32 s21, s4  }
0xa3: {  	[timem:s8], [sflag:s22] =	dma.local [hbm:s6], s20  }
0xa4: {  	_ =	swait.ge [sflag:s22], s20  }
0xa5: {  	s5 =	ssub.s32 $0x0, s20;
	[sflag:s22] =	ssyncset.done $0x0  }
0xa6: {  	[sflag:s22] =	ssyncadd.s32 s5;
	_ =	sdelay $0x1  }
0xa7: {  	s23 =	simm.s32 $0x1B8B  }
0xa8: {  	_ =	swait.ge [sflag:s23], $0x1  }
0xa9: {  	[sflag:s23] =	ssyncset.done $0x0  }
0xaa: {  	s25 =	simm.s32 $0x1B8E;
	s24 =	sld [smem:$0x3FFE];
	[sflag:s23] =	ssyncadd.s32 $0xFFFFFFFF  }
0xab: {  	s26 =	simm.s32 $execute0_lowered;
	[smem:$0x3FD2] =	sst s25  }
0xac: {  	s6 =	sshll.u32 s26, $0x1;
	_ =	strace $0x80000046;
	[dreg:$0x1] =	wrdreg $0xFFFFFFFF  }
0xad: {  	s28 =	simm.s32 $_size_execute0_lowered;
	s4 =	sadd.s32 s4, s6;
	[dreg:$0x0] =	wrdreg $0x0  }
0xae: {  	s6 =	sshll.u32 s28, $0x1;
	[dreg:$0x2] =	wrdreg s4  }
0xaf: {  	[dreg:$0x3] =	wrdreg s6  }
0xb0: {  	[dreg:$0x4] =	wrdreg $0xC0  }
0xb1: {  	_ =	task [dreg:s8], $0x5FFFF  }
0xb2: {  	[dreg:$0x1] =	wrdreg $0xFFFFFFFF  }
0xb3: {  	[dreg:$0x0] =	wrdreg $0x60  }
0xb4: {  	[dreg:$0x2] =	wrdreg s24  }
0xb5: {  	[dreg:$0x3] =	wrdreg s17  }
0xb6: {  	[dreg:$0x4] =	wrdreg s16  }
0xb7: {  	[dreg:$0x5] =	wrdreg $0xB8500  }
0xb8: {  	[dreg:$0x6] =	wrdreg $0x1F5500  }
0xb9: {  	[dreg:$0x7] =	wrdreg $0x155500  }
0xba: {  	[dreg:$0x8] =	wrdreg $0x9  }
0xbb: {  	_ =	task.clear_ibuf [dreg:s8], $0x9FFFF;
	_ =	strace $0x90000046  }
0xbc: {  	s29 =	simm.s32 $0x9;
	_ =	strace $0x80000048  }
0xbd: {  	_ =	swait.ge [sflag:s29], $0x1  }
0xbe: {  	[sflag:s29] =	ssyncadd.s32 $0xFFFFFFFF  }
0xbf: {  	_ =	strace $0x90000048  }
0xc0: {  	_ =	sfence  }
0xc1: {  	s30 =	sld [smem:$0x0];
	_ =	sdelay $0x2  }
0xc2: {  	s31 =	sshll.u32 s1, $0xD;
	s1 =	sshrl.u32 s1, $0x2  }
0xc3: {  	s3 =	sand.u32 $0x4000, s31;
	s1 =	sadd.s32 s1, s30  }
0xc4: {  	s0 =	sor.u32 s3, s0;
	s1 =	sshll.u32 s1, $0x11  }
0xc5: {  	s0 =	sor.u32 s1, s0  }
0xc6: {  	s0 =	sadd.s32 $0x8F2B, s0  }
0xc7: {  	[sflag:s0] =	ssyncadd.remote.s32 $0x1  }
0xc8: {  	_ =	sfence.sel $0xFFFF  }
0xc9: {  	[dreg:$0x0] =	wrdreg $0xFFFFFFFF;
	(pc) =	sbr.abs _section_cstart, $3  }
0xca: {  	[dreg:$0x1] =	wrdreg $0xFFFFFFFF  }
0xcb: {  	_ =	task.clear_ibuf [dreg:s8], $0x2FFFF;
	_ =	strace $0x9FFFFFFF  }
0xcc: {  	(tm) =	ssettm $0x7FFFFFFF  }
0xcd: {  	_ =	shalt  }
tec
execute0_lowered:
.L_overlay_start_1:
0x0: {  	(tag) =	ssettag $0x1  }
0x1: {  	s3 =	rddreg [dreg:$0x0]  }
0x2: {  	s0 =	rddreg [dreg:$0x1]  }
0x3: {  	s1 =	rddreg [dreg:$0x2]  }
0x4: {  	s2 =	rddreg [dreg:$0x3]  }
0x5: {  	s15 =	rddreg [dreg:$0x4];
	s4 =	srdreg.scid  }
0x6: {  	s6 =	stileid.u32;
	s5 =	rddreg [dreg:$0x5]  }
0x7: {  	s9 =	simm.s32 $0x0;
	s28 =	simm.s32 $0x2800;
	s29 =	simm.s32 $0x80  }
0x8: {  	s30 =	simm.s32 $0x7000;
	s31 =	simm.s32 $0x9000;
	s7 =	smul.u32 $0x13880, s6  }
0x9: {  	s4 =	sand.u32 $0x1, s4;
	[smem:$0x7FF] =	sst s9;
	s16 =	smul.u32 $0x14000, s6  }
0xa: {  	s10 =	sadd.s32 $0x29E00, s3;
	s11 =	sadd.s32 $0x2A400, s3;
	s18 =	smul.u32 $0x27100, s6  }
0xb: {  	s19 =	smul.u32 $0x28000, s6;
	s22 =	sshll.u32 s6, $0x6;
	p0 =	sne.s32 s6, $0x0  }
0xc: {  	s8 =	sshll.u32 s4, $0x6;
	_ =	strace $0x80000047;
	[dreg:$0x7] =	wrdreg s10  }
0xd: {  	s17 =	smul.u32 $0x500, s4;
	[dreg:$0x8] =	wrdreg s11;
	s4 =	ssub.s32 $0x2, s4  }
0xe: {  	s11 =	sor.u32 $0x1C05, s22;
	s22 =	simm.s32 $0x8;
	s7 =	sor.u32 s8, s7  }
0xf: {  	s8 =	sor.u32 s8, s16;
	s20 =	sshrl.u32 s4, $0x1;
	s9 =	sshrl.u32 s18, $0x2  }
0x10: {  	s21 =	sshrl.u32 s19, $0x2;
	s16 =	smul.u32 $0x5000, s6;
	s6 =	simm.s32 $0x3  }
0x11: {  	s7 =	sshrl.u32 s7, $0x3;
	s8 =	sshrl.u32 s8, $0x3;
	s4 =	ssub.s32 s4, s20  }
0x12: {  	s12 =	sadd.s32 s9, s2;
	s9 =	sadd.s32 s21, s5;
	s21 =	simm.s32 $0x1  }
0x13: {  	s7 =	sadd.s32 s7, s3;
	s8 =	sadd.s32 s8, s3;
	s23 =	sadd.s32 $0x2000, s9  }
0x14: {  	s3 =	sadd.s32 s17, s3;
	s24 =	sadd.s32 $0x4000, s9;
	[dreg:$0xa] =	wrdreg s23  }
0x15: {  	s25 =	sadd.s32 $0x6000, s9;
	s26 =	sadd.s32 $0x8000, s9;
	[dreg:$0xb] =	wrdreg s24  }
0x16: {  	s19 =	smax.u32 s4, $0x1;
	s20 =	sshrl.u32 s12, $0x3;
	[dreg:$0xc] =	wrdreg s25  }
0x17: {  	s4 =	simm.s32 $0x2;
	s7 =	sadd.s32 $0x2C00, s7;
	[dreg:$0xd] =	wrdreg s26  }
0x18: {  	s17 =	sadd.s32 $0x2B000, s8;
	s18 =	sadd.s32 $0x2A600, s3;
	s23 =	simm.s32 $0x10  }
0x19: {  	s24 =	simm.s32 $0x5;
	s25 =	simm.s32 $0xB800;
	s26 =	simm.s32 $0x5000  }
0x1a: {  	v0 =	vimm.f32 $0.0e+00;
	v1 =	vimm.f32 $1.000000000e+00;
	s3 =	simm.s32 $0x4;
	[dreg:$0x9] =	wrdreg s7;
	s7 =	simm.s32 $0x0  }
.LBB2_1:
0x1b: {  	s8 =	rddreg [dreg:$0x9]  }
0x1c: {  	[spmem:s20@s22], [sflag:s11] =	dma.strided [hbm:s8@s23], $0x1388, s21, $0x8   }
0x1d: {  	_ =	swait.ge [sflag:s24], $0x1388  }
0x1e: {  	[sflag:s24] =	ssyncset.done $0x0  }
0x1f: {  	s14 =	simm.s32 $0x0;
	s10 =	rddreg [dreg:$0x8];
	[sflag:s24] =	ssyncadd.s32 $0xFFFFEC78  }
0x20: {  	[tilespmem:s25], [sflag:$0x5] =	stream.linear.gather [hbm4b:s10+s14], $0x50, $0x38;
	[tilespmem:$0x1F7D0] =	vst v63  }
0x21: {  	_ =	swait.ge [sflag:s24], $0x50  }
0x22: {  	[sflag:s24] =	ssyncset.done $0x0  }
0x23: {  	s8 =	sshrl.u32 @!p0 s15, $0x3;
	s10 =	rddreg [dreg:$0x7];
	[sflag:s24] =	ssyncadd.s32 $0xFFFFFFB0  }
0x24: {  	[spmem:s8], [sflag:s11] =	dma.local @!p0 [hbm:s10], $0x500  }
0x25: {  	s10 =	simm.s32 @!p0 $0x5  }
0x26: {  	_ =	swait.ge @!p0 [sflag:s10], $0x500  }
0x27: {  	[sflag:s10] =	ssyncset.done @!p0 $0x0  }
0x28: {  	[sflag:s10] =	ssyncadd.s32 @!p0 $0xFFFFFB00;
	s10 =	simm.s32 $0x0  }
.LBB2_2:
0x29: {  	p1 =	sne.s32 s10, $0x7F00  }
.Ltmp0:
0x2a: {  	s12 =	sshra.s32 s10, $0x2;
	(pc) =	sbr.rel @p1 .LBB2_2-.Ltmp0, $4  }
0x2b: {  	[tilespmem:s12+$0x5000] =	vst v0  }
0x2c: {  	[tilespmem:s12+$0x5010] =	vst v0  }
0x2d: {  	[tilespmem:s12+$0x5020] =	vst v0  }
0x2e: {  	s10 =	sadd.s32 $0x100, s10;
	[tilespmem:s12+$0x5030] =	vst v0  }
0x2f: {  	s10 =	simm.s32 $0x0;
	s12 =	simm.s32 $0x200  }
.LBB2_4:
0x30: {  	p1 =	sne.s32 s12, $0x9E00;
	[tilespmem:s10+$0x9070] =	vst v0  }
0x31: {  	[tilespmem:s10+$0x9000] =	vst v0  }
0x32: {  	[tilespmem:s10+$0x9010] =	vst v0  }
.Ltmp1:
0x33: {  	[tilespmem:s10+$0x9020] =	vst v0;
	(pc) =	sbr.rel @p1 .LBB2_4-.Ltmp1, $4  }
0x34: {  	[tilespmem:s10+$0x9030] =	vst v0  }
0x35: {  	[tilespmem:s10+$0x9040] =	vst v0  }
0x36: {  	[tilespmem:s10+$0x9050] =	vst v0  }
0x37: {  	[tilespmem:s10+$0x9060] =	vst v0;
	s10 =	sshra.s32 s12, $0x2;
	s12 =	sadd.s32 $0x200, s12  }
0x38: {  	[tilespmem:s10+$0x9070] =	vst v0  }
0x39: {  	[tilespmem:s10+$0x9000] =	vst v0  }
0x3a: {  	[tilespmem:s10+$0x9010] =	vst v0  }
0x3b: {  	[tilespmem:s10+$0x9020] =	vst v0  }
0x3c: {  	[tilespmem:s10+$0x9030] =	vst v0  }
0x3d: {  	[tilespmem:s10+$0x9040] =	vst v0  }
0x3e: {  	[tilespmem:s10+$0x9050] =	vst v0  }
0x3f: {  	[tilespmem:s10+$0x9060] =	vst v0  }
0x40: {  	[spmem:s9] =	stream.linear.scatter [tilespmem:s26], [sflag:$0x5], $0x2000, $0x38;
	[tilespmem:$0x1F7D0] =	vst v63  }
0x41: {  	_ =	swait.ge [sflag:s24], $0x2000  }
0x42: {  	[sflag:s24] =	ssyncset.done $0x0  }
0x43: {  	s14 =	rddreg [dreg:$0xa];
	[sflag:s24] =	ssyncadd.s32 $0xFFFFE000  }
0x44: {  	[spmem:s14] =	stream.linear.scatter [tilespmem:s26], [sflag:$0x5], $0x2000, $0x38;
	[tilespmem:$0x1F7D0] =	vst v63  }
0x45: {  	_ =	swait.ge [sflag:s24], $0x2000  }
0x46: {  	[sflag:s24] =	ssyncset.done $0x0  }
0x47: {  	s12 =	rddreg [dreg:$0xb];
	[sflag:s24] =	ssyncadd.s32 $0xFFFFE000  }
0x48: {  	[spmem:s12] =	stream.linear.scatter [tilespmem:s26], [sflag:$0x5], $0x2000, $0x38;
	[tilespmem:$0x1F7D0] =	vst v63  }
0x49: {  	_ =	swait.ge [sflag:s24], $0x2000  }
0x4a: {  	[sflag:s24] =	ssyncset.done $0x0  }
0x4b: {  	s13 =	rddreg [dreg:$0xc];
	[sflag:s24] =	ssyncadd.s32 $0xFFFFE000  }
0x4c: {  	[spmem:s13] =	stream.linear.scatter [tilespmem:s26], [sflag:$0x5], $0x2000, $0x38;
	[tilespmem:$0x1F7D0] =	vst v63  }
0x4d: {  	_ =	swait.ge [sflag:s24], $0x2000  }
0x4e: {  	[sflag:s24] =	ssyncset.done $0x0  }
0x4f: {  	s14 =	rddreg [dreg:$0xd];
	[sflag:s24] =	ssyncadd.s32 $0xFFFFE000  }
0x50: {  	[spmem:s14] =	stream.linear.scatter [tilespmem:s26], [sflag:$0x5], $0x2000, $0x38;
	[tilespmem:$0x1F7D0] =	vst v63  }
0x51: {  	_ =	swait.ge [sflag:s24], $0x2000  }
0x52: {  	[sflag:s24] =	ssyncset.done $0x0  }
0x53: {  	s10 =	simm.s32 $0x0;
	[sflag:s24] =	ssyncadd.s32 $0xFFFFE000  }
0x54: {  	p2 =	por $0x1, $0x1;
	s12 =	simm.s32 $0x0;
	[bflag:$0x0] =	sbarrier.arrive $0xFFFF  }
.LBB2_6:
0x55: {  	s12 =	sadd.s32 s16, s12  }
0x56: {  	s12 =	sshrl.u32 s12, $0x3  }
0x57: {  	s13 =	sadd.s32 s0, s12  }
0x58: {  	[tilespmem:s10], [sflag:$0x5] =	stream.linear.gather [hbm4b:s13+s10], $0x2800, $0x38;
	[tilespmem:$0x1F7D0] =	vst v63  }
0x59: {  	_ =	swait.ge [sflag:s24], $0x2800  }
0x5a: {  	[sflag:s24] =	ssyncset.done $0x0  }
0x5b: {  	s12 =	sadd.s32 s1, s12;
	[sflag:s24] =	ssyncadd.s32 $0xFFFFD800  }
0x5c: {  	[tilespmem:s28], [sflag:$0x5] =	stream.linear.gather [hbm4b:s12+s10], $0x2800, $0x38;
	[tilespmem:$0x1F7D0] =	vst v63  }
0x5d: {  	_ =	swait.ge [sflag:s24], $0x2800  }
0x5e: {  	[sflag:s24] =	ssyncset.done $0x0  }
0x5f: {  	p1 =	por p2, p2;
	s12 =	simm.s32 $0x0;
	[sflag:s24] =	ssyncadd.s32 $0xFFFFD800  }
.LBB2_7:
0x60: {  	s13 =	sshra.s32 s12, $0x2  }
0x61: {  	[tilespmem:s26], [sflag:$0x1] =	stream.indirect.gather [spmem:s2], $0x40, s13, s29, $0xb8;
	[tilespmem:$0x1F7D0] =	vst v63  }
0x62: {  	s14 =	sadd.s32 $0x80, s13  }
0x63: {  	[tilespmem:s30], [sflag:$0x2] =	stream.indirect.gather [spmem:s2], $0x40, s14, s29, $0xb8;
	[tilespmem:$0x1F7D0] =	vst v63  }
0x64: {  	v2 =	vld [tilespmem:s13+$0x2800];
	_ =	sdelay $0x7  }
0x65: {  	[tilespmem:v2+s31+$0x0] =	vst.idx.add.f32.msk $0xffff, v1  }
0x66: {  	v2 =	vld [tilespmem:s13+$0x2810];
	_ =	sdelay $0x7  }
0x67: {  	[tilespmem:v2+s31+$0x0] =	vst.idx.add.f32.msk $0xffff, v1  }
0x68: {  	v2 =	vld [tilespmem:s13+$0x2820];
	_ =	sdelay $0x7  }
0x69: {  	[tilespmem:v2+s31+$0x0] =	vst.idx.add.f32.msk $0xffff, v1  }
0x6a: {  	v2 =	vld [tilespmem:s13+$0x2830];
	_ =	sdelay $0x7  }
0x6b: {  	[tilespmem:v2+s31+$0x0] =	vst.idx.add.f32.msk $0xffff, v1  }
0x6c: {  	v2 =	vld [tilespmem:s13+$0x2840];
	_ =	sdelay $0x7  }
0x6d: {  	[tilespmem:v2+s31+$0x0] =	vst.idx.add.f32.msk $0xffff, v1  }
0x6e: {  	v2 =	vld [tilespmem:s13+$0x2850];
	_ =	sdelay $0x7  }
0x6f: {  	[tilespmem:v2+s31+$0x0] =	vst.idx.add.f32.msk $0xffff, v1  }
0x70: {  	v2 =	vld [tilespmem:s13+$0x2860];
	_ =	sdelay $0x7  }
0x71: {  	[tilespmem:v2+s31+$0x0] =	vst.idx.add.f32.msk $0xffff, v1  }
0x72: {  	v2 =	vld [tilespmem:s13+$0x2870];
	_ =	sdelay $0x7  }
0x73: {  	[tilespmem:v2+s31+$0x0] =	vst.idx.add.f32.msk $0xffff, v1  }
0x74: {  	v2 =	vld [tilespmem:s13+$0x2880];
	_ =	sdelay $0x7  }
0x75: {  	[tilespmem:v2+s31+$0x0] =	vst.idx.add.f32.msk $0xffff, v1  }
0x76: {  	v2 =	vld [tilespmem:s13+$0x2890];
	_ =	sdelay $0x7  }
0x77: {  	[tilespmem:v2+s31+$0x0] =	vst.idx.add.f32.msk $0xffff, v1  }
0x78: {  	v2 =	vld [tilespmem:s13+$0x28A0];
	_ =	sdelay $0x7  }
0x79: {  	[tilespmem:v2+s31+$0x0] =	vst.idx.add.f32.msk $0xffff, v1  }
0x7a: {  	v2 =	vld [tilespmem:s13+$0x28B0];
	_ =	sdelay $0x7  }
0x7b: {  	[tilespmem:v2+s31+$0x0] =	vst.idx.add.f32.msk $0xffff, v1  }
0x7c: {  	v2 =	vld [tilespmem:s13+$0x28C0];
	_ =	sdelay $0x7  }
0x7d: {  	[tilespmem:v2+s31+$0x0] =	vst.idx.add.f32.msk $0xffff, v1  }
0x7e: {  	v2 =	vld [tilespmem:s13+$0x28D0];
	_ =	sdelay $0x7  }
0x7f: {  	[tilespmem:v2+s31+$0x0] =	vst.idx.add.f32.msk $0xffff, v1  }
0x80: {  	v2 =	vld [tilespmem:s13+$0x28E0];
	_ =	sdelay $0x7  }
0x81: {  	[tilespmem:v2+s31+$0x0] =	vst.idx.add.f32.msk $0xffff, v1  }
0x82: {  	v2 =	vld [tilespmem:s13+$0x28F0];
	_ =	sdelay $0x7  }
0x83: {  	[tilespmem:v2+s31+$0x0] =	vst.idx.add.f32.msk $0xffff, v1  }
0x84: {  	_ =	swait.ge [sflag:s21], $0x2000  }
0x85: {  	[sflag:s21] =	ssyncset.done $0x0  }
0x86: {  	s14 =	sadd.s32 $0x2800, s13;
	[sflag:s21] =	ssyncadd.s32 $0xFFFFE000  }
0x87: {  	[spmem:s5] =	stream.indirect.scatter.add.f32 [tilespmem:s26], [sflag:$0x3], $0x40, s14, s29, $0xb8;
	[tilespmem:$0x1F7D0] =	vst v63  }
0x88: {  	_ =	swait.ge [sflag:s4], $0x2000  }
0x89: {  	[sflag:s4] =	ssyncset.done $0x0  }
0x8a: {  	s13 =	sadd.s32 $0x2880, s13;
	[sflag:s4] =	ssyncadd.s32 $0xFFFFE000  }
0x8b: {  	[spmem:s5] =	stream.indirect.scatter.add.f32 [tilespmem:s30], [sflag:$0x4], $0x40, s13, s29, $0xb8;
	[tilespmem:$0x1F7D0] =	vst v63  }
0x8c: {  	p2 =	sne.s32 s12, $0x9C00;
	_ =	swait.ge [sflag:s6], $0x2000  }
.Ltmp2:
0x8d: {  	[sflag:s6] =	ssyncset.done $0x0;
	(pc) =	sbr.rel @p2 .LBB2_7-.Ltmp2, $4  }
0x8e: {  	[sflag:s6] =	ssyncadd.s32 $0xFFFFE000  }
0x8f: {  	_ =	swait.ge [sflag:s3], $0x2000  }
0x90: {  	[sflag:s3] =	ssyncset.done $0x0  }
0x91: {  	s12 =	sadd.s32 $0x400, s12;
	[sflag:s3] =	ssyncadd.s32 $0xFFFFE000  }
.Ltmp3:
0x92: {  	(pc) =	sbr.rel @p1 .LBB2_6-.Ltmp3, $2  }
0x93: {  	_ =	sdelay $0x2  }
0x94: {  	s12 =	simm.s32 $0x2800;
	p2 =	por $0x0, $0x0  }
0x95: {  	s10 =	simm.s32 $0x50  }
0x96: {  	[spmem:s15] =	stream.indirect.scatter.add.f32 [tilespmem:s31], [sflag:$0x5], $0x80, s25, s10, $0xb8;
	[tilespmem:$0x1F7D0] =	vst v63  }
0x97: {  	_ =	swait.ge [sflag:s24], $0x2800  }
0x98: {  	[sflag:s24] =	ssyncset.done $0x0  }
0x99: {  	[sflag:s24] =	ssyncadd.s32 $0xFFFFD800  }
0x9a: {  	s14 =	sshrl.u32 s9, $0x3;
	[bflag:$0x0] =	sbarrier.arrive $0xFFFF  }
0x9b: {  	[hbm:s17@s23], [sflag:s11] =	dma.strided [spmem:s14@s22], $0x1400, s21, $0x8   }
0x9c: {  	_ =	swait.ge [sflag:s24], $0x1400  }
0x9d: {  	s7 =	sadd.s32 $0x1, s7;
	[sflag:s24] =	ssyncset.done $0x0  }
0x9e: {  	p1 =	sne.s32 s7, s19;
	[sflag:s24] =	ssyncadd.s32 $0xFFFFEC00  }
0x9f: {  	[hbm:s18], [sflag:s11] =	dma.local @!p0 [spmem:s8], $0x500  }
.Ltmp4:
0xa0: {  	_ = 	snop;
	(pc) =	sbr.rel @p1 .LBB2_1-.Ltmp4, $4  }
0xa1: {  	s8 =	simm.s32 @!p0 $0x5  }
0xa2: {  	_ =	swait.ge @!p0 [sflag:s8], $0x500  }
0xa3: {  	[sflag:s8] =	ssyncset.done @!p0 $0x0  }
0xa4: {  	[sflag:s8] =	ssyncadd.s32 @!p0 $0xFFFFFB00  }
0xa5: {  	_ =	sfence.sel $0x180000  }
0xa6: {  	[bflag:$0x0] =	sbarrier.arrive $0xFFFF  }
0xa7: {  	_ =	strace $0x90000047  }
0xa8: {  	[bflag:$0x2] =	sbarrier.arrive $0xFFFF  }
0xa9: {  	s0 =	rddreg [dreg:$0x6]  }
0xaa: {  	s0 =	sadd.s32 @!p0 $0x100000, s0  }
0xab: {  	[sflag:s0] =	ssyncadd.tile.s32 @!p0 $0x1;
	_ =	shalt  }
.Lfunc_end2:
_tile_overlayer_lowered:
.L_overlay_start_2:
0xac: {  	(tag) =	ssettag $0x2  }
0xad: {  	s0 =	rddreg [dreg:$0x0];
	s2 =	stileid.u32  }
0xae: {  	s1 =	rddreg [dreg:$0x1];
	p0 =	sne.s32 s2, $0x0  }
0xaf: {  	s3 =	rddreg [dreg:$0x2];
	[bflag:$0x3] =	sbarrier.arrive $0xFFFF;
	s2 =	simm.s32 @!p0 $0x1C05  }
0xb0: {  	[timem:s3], [sflag:s2] =	dma.local @!p0 [hbm:s0], s1  }
0xb1: {  	s0 =	simm.s32 @!p0 $0x5  }
0xb2: {  	_ =	swait.ge @!p0 [sflag:s0], s1  }
0xb3: {  	s1 =	ssub.s32 @!p0 $0x0, s1;
	[sflag:s0] =	ssyncset.done @!p0 $0x0  }
0xb4: {  	[sflag:s0] =	ssyncadd.s32 @!p0 s1  }
0xb5: {  	[bflag:$0x3] =	sbarrier.arrive $0xFFFF  }
0xb6: {  	_ =	shalt  }

</sc_bundles>
